<compile_context>
chip_gen: v7x
topology: tpu7x:2x2x1
jax: 0.10.2.dev20260603
libtpu: 0.0.44.dev20260713+nightly
codegen_flags: <defaults>
</compile_context>

<pallas_src>
import jax
import jax.numpy as jnp
from jax import lax
from jax.experimental import pallas as pl
from jax.experimental.pallas import tpu as pltpu
from jax.experimental.pallas import tpu_sc as plsc

_NUM_EMBEDDINGS = 100000
_DIM = 128
_BATCH = 4096
_HIST = 50

_INFO = plsc.get_sparse_core_info()
_NC = _INFO.num_cores
_NS = _INFO.num_subcores
_NW = _NC * _NS

_EPW = _BATCH // _NW
_NBUF = 4
_LOOKAHEAD = 2


def _gather_body(idx_hbm, table_hbm, out_hbm, idx_v, rows_v, gsems, ssems):
    wid = lax.axis_index("s") * _NC + lax.axis_index("c")
    base = wid * _EPW

    pltpu.sync_copy(idx_hbm.at[wid], idx_v)

    def start_gather(c, b):
        pltpu.async_copy(table_hbm.at[idx_v.at[c]], rows_v.at[b], gsems.at[b])

    def wait_gather(b):
        pltpu.make_async_copy(
            table_hbm.at[idx_v.at[0]], rows_v.at[b], gsems.at[b]
        ).wait()

    def start_store(c, b):
        pltpu.async_copy(rows_v.at[b], out_hbm.at[base + c], ssems.at[b])

    def wait_store(b):
        pltpu.make_async_copy(
            rows_v.at[b], out_hbm.at[base], ssems.at[b]
        ).wait()

    for c0 in range(_LOOKAHEAD):
        start_gather(c0, c0)

    def group_body(g, carry):
        del carry
        for b in range(_NBUF):
            c = g * _NBUF + b
            tb = (b + _LOOKAHEAD) % _NBUF

            @pl.when(c + _LOOKAHEAD < _EPW)
            def _():
                @pl.when(c + _LOOKAHEAD >= _NBUF)
                def _():
                    wait_store(tb)

                start_gather(c + _LOOKAHEAD, tb)

            wait_gather(b)
            start_store(c, b)
        return 0

    lax.fori_loop(0, _EPW // _NBUF, group_body, 0)

    for b in range(_NBUF):
        wait_store(b)


@jax.jit
def kernel(x, table):
    idx = x.reshape(_NW, _EPW, _HIST).astype(jnp.int32)
    call = pl.kernel(
        _gather_body,
        out_type=jax.ShapeDtypeStruct((_BATCH, _HIST, _DIM), jnp.float32),
        mesh=plsc.VectorSubcoreMesh(core_axis_name="c", subcore_axis_name="s"),
        scratch_types=[
            pltpu.VMEM((_EPW, _HIST), jnp.int32),
            pltpu.VMEM((_NBUF, _HIST, _DIM), jnp.float32),
            pltpu.SemaphoreType.DMA((_NBUF,)),
            pltpu.SemaphoreType.DMA((_NBUF,)),
        ],
    )
    return call(idx, table)

# --- scband reference (transcript-rebuilt; emitter-appended) ---
"""Pipeline reference for scband-embedding-block-87076166959220 (READ-ONLY COPY).

The authoritative reference and input builder live on the scoring server;
editing this copy changes nothing except your own understanding.
"""

import jax, jax.numpy as jnp
import numpy as np

NUM_EMBEDDINGS = 100000
DIM = 128
BATCH = 4096
HIST = 50

def setup_inputs(seed: int = 0) -> dict:
    key = jax.random.key(seed)
    k1, k2 = jax.random.split(key)
    x = jax.random.randint(k1, (BATCH, HIST), 0, NUM_EMBEDDINGS, dtype=jnp.int64 if jax.config.jax_enable_x64 else jnp.int32)
    table = jax.random.normal(k2, (NUM_EMBEDDINGS, DIM), dtype=jnp.float32)
    return {"x": x, "table": table}

def reference(x, table):
    # EmbeddingBlock.forward: dropout(embed(x)); dropout is identity at inference.
    out = jnp.take(table, x, axis=0)
    return out

if __name__ == "__main__":
    import jax
    _d = setup_inputs()
    print(jax.jit(kernel)(*tuple(_d.values())))

</pallas_src>

<mosaic_0001>
#map = affine_map<(d0, d1) -> (0, 0, 0)>
#map1 = affine_map<(d0, d1) -> (0, 0)>
module attributes {stable_mosaic.version = 14 : i64} {
  func.func @_gather_body(%arg0: i32, %arg1: i32, %arg2: memref<32x128x50xi32, #tpu.memory_space<hbm>>, %arg3: memref<100000x128xf32, #tpu.memory_space<hbm>>, %arg4: memref<4096x50x128xf32, #tpu.memory_space<hbm>>, %arg5: memref<128x50xi32, #tpu.memory_space<vmem>>, %arg6: memref<4x50x128xf32, #tpu.memory_space<vmem>>, %arg7: memref<4x!tpu.dma_semaphore, #tpu.memory_space<semaphore_mem>>, %arg8: memref<4x!tpu.dma_semaphore, #tpu.memory_space<semaphore_mem>>) attributes {dimension_semantics = [#tpu.dimension_semantics<core_parallel>, #tpu.dimension_semantics<subcore_parallel>], iteration_bounds = array<i64: 2, 16>, scalar_prefetch = 0 : i64, scratch_operands = 4 : i64, tpu.core_type = #tpu.core_type<sc_vector_subcore>, window_params = [{transform_indices = #map}, {transform_indices = #map1}, {transform_indices = #map}]} {
    %mul3A = arith.constant 2 : i32
    %mul3A_0 = arith.muli %arg1, %mul3A : i32
    %add3A = arith.addi %mul3A_0, %arg0 : i32
    %mul3A_1 = arith.constant 128 : i32
    %mul3A_2 = arith.muli %add3A, %mul3A_1 : i32
    "tpu.region"() ({
      %run_scoped3A = tpu.sem_alloc : memref<!tpu.dma_semaphore, #tpu.memory_space<semaphore_mem>>
      %dma_start3A_117 = arith.constant 0 : i32
      %dma_start3A_118 = arith.constant 0 : i32
      %dma_start3A_119 = tpu.memref_slice %arg2[%add3A, %dma_start3A_117, %dma_start3A_118] : memref<32x128x50xi32, #tpu.memory_space<hbm>> -> memref<1x128x50xi32, #tpu.memory_space<hbm>>
      %dma_start3A_120 = tpu.memref_squeeze %dma_start3A_119 : memref<1x128x50xi32, #tpu.memory_space<hbm>> -> memref<128x50xi32, #tpu.memory_space<hbm>>
      %dma_start3A_121 = arith.constant 0 : i32
      %dma_start3A_122 = arith.constant 0 : i32
      %dma_start3A_123 = tpu.memref_slice %arg2[%add3A, %dma_start3A_121, %dma_start3A_122] : memref<32x128x50xi32, #tpu.memory_space<hbm>> -> memref<1x128x50xi32, #tpu.memory_space<hbm>>
      %dma_start3A_124 = tpu.memref_squeeze %dma_start3A_123 : memref<1x128x50xi32, #tpu.memory_space<hbm>> -> memref<128x50xi32, #tpu.memory_space<hbm>>
      tpu.enqueue_dma source(%dma_start3A_124 : memref<128x50xi32, #tpu.memory_space<hbm>>) target(%arg5 : memref<128x50xi32, #tpu.memory_space<vmem>>) target_semaphore(%run_scoped3A : memref<!tpu.dma_semaphore, #tpu.memory_space<semaphore_mem>>)
      %dma_wait3A_125 = arith.constant 0 : i32
      %dma_wait3A_126 = arith.constant 0 : i32
      %dma_wait3A_127 = tpu.memref_slice %arg2[%add3A, %dma_wait3A_125, %dma_wait3A_126] : memref<32x128x50xi32, #tpu.memory_space<hbm>> -> memref<1x128x50xi32, #tpu.memory_space<hbm>>
      %dma_wait3A_128 = tpu.memref_squeeze %dma_wait3A_127 : memref<1x128x50xi32, #tpu.memory_space<hbm>> -> memref<128x50xi32, #tpu.memory_space<hbm>>
      %dma_wait3A_129 = arith.constant 0 : i32
      %dma_wait3A_130 = arith.constant 0 : i32
      %dma_wait3A_131 = tpu.memref_slice %arg2[%add3A, %dma_wait3A_129, %dma_wait3A_130] : memref<32x128x50xi32, #tpu.memory_space<hbm>> -> memref<1x128x50xi32, #tpu.memory_space<hbm>>
      %dma_wait3A_132 = tpu.memref_squeeze %dma_wait3A_131 : memref<1x128x50xi32, #tpu.memory_space<hbm>> -> memref<128x50xi32, #tpu.memory_space<hbm>>
      tpu.wait_dma2 semaphore(%run_scoped3A : memref<!tpu.dma_semaphore, #tpu.memory_space<semaphore_mem>>) src(%dma_wait3A_132 : memref<128x50xi32, #tpu.memory_space<hbm>>) dst(%arg5 : memref<128x50xi32, #tpu.memory_space<vmem>>)
      tpu.yield
    }) : () -> ()
    %dma_start3A = arith.constant 0 : i32
    %dma_start3A_3 = arith.constant 0 : i32
    %dma_start3A_4 = arith.constant 0 : i32
    %dma_start3A_5 = arith.constant 0 : i32
    %dma_start3A_6 = arith.constant 0 : i32
    %dma_start3A_7 = tpu.memref_slice %arg6[%dma_start3A_3, %dma_start3A_5, %dma_start3A_6] : memref<4x50x128xf32, #tpu.memory_space<vmem>> -> memref<1x50x128xf32, #tpu.memory_space<vmem>>
    %dma_start3A_8 = tpu.memref_squeeze %dma_start3A_7 : memref<1x50x128xf32, #tpu.memory_space<vmem>> -> memref<50x128xf32, #tpu.memory_space<vmem>>
    %dma_start3A_9 = arith.constant 0 : i32
    %dma_start3A_10 = tpu.memref_slice %arg5[%dma_start3A, %dma_start3A_9] : memref<128x50xi32, #tpu.memory_space<vmem>> -> memref<1x50xi32, #tpu.memory_space<vmem>>
    %dma_start3A_11 = tpu.memref_squeeze %dma_start3A_10 : memref<1x50xi32, #tpu.memory_space<vmem>> -> memref<50xi32, #tpu.memory_space<vmem>>
    %dma_start3A_12 = arith.constant 0 : i32
    %dma_start3A_13 = arith.constant 0 : i32
    %dma_start3A_14 = tpu.memref_slice %arg3[%dma_start3A_12, %dma_start3A_13] : memref<100000x128xf32, #tpu.memory_space<hbm>> -> memref<100000x128xf32, #tpu.memory_space<hbm>>
    %dma_start3A_15 = tpu.memref_slice %arg7[%dma_start3A_4] : memref<4x!tpu.dma_semaphore, #tpu.memory_space<semaphore_mem>> -> memref<1x!tpu.dma_semaphore, #tpu.memory_space<semaphore_mem>>
    %dma_start3A_16 = tpu.memref_squeeze %dma_start3A_15 : memref<1x!tpu.dma_semaphore, #tpu.memory_space<semaphore_mem>> -> memref<!tpu.dma_semaphore, #tpu.memory_space<semaphore_mem>>
    tpu.enqueue_indirect_dma source(%dma_start3A_14 : memref<100000x128xf32, #tpu.memory_space<hbm>>) target(%dma_start3A_8 : memref<50x128xf32, #tpu.memory_space<vmem>>) offsets(%dma_start3A_11 : memref<50xi32, #tpu.memory_space<vmem>>) semaphore(%dma_start3A_16 : memref<!tpu.dma_semaphore, #tpu.memory_space<semaphore_mem>>)
    %dma_start3A_17 = arith.constant 1 : i32
    %dma_start3A_18 = arith.constant 1 : i32
    %dma_start3A_19 = arith.constant 1 : i32
    %dma_start3A_20 = arith.constant 0 : i32
    %dma_start3A_21 = arith.constant 0 : i32
    %dma_start3A_22 = tpu.memref_slice %arg6[%dma_start3A_18, %dma_start3A_20, %dma_start3A_21] : memref<4x50x128xf32, #tpu.memory_space<vmem>> -> memref<1x50x128xf32, #tpu.memory_space<vmem>>
    %dma_start3A_23 = tpu.memref_squeeze %dma_start3A_22 : memref<1x50x128xf32, #tpu.memory_space<vmem>> -> memref<50x128xf32, #tpu.memory_space<vmem>>
    %dma_start3A_24 = arith.constant 0 : i32
    %dma_start3A_25 = tpu.memref_slice %arg5[%dma_start3A_17, %dma_start3A_24] : memref<128x50xi32, #tpu.memory_space<vmem>> -> memref<1x50xi32, #tpu.memory_space<vmem>>
    %dma_start3A_26 = tpu.memref_squeeze %dma_start3A_25 : memref<1x50xi32, #tpu.memory_space<vmem>> -> memref<50xi32, #tpu.memory_space<vmem>>
    %dma_start3A_27 = arith.constant 0 : i32
    %dma_start3A_28 = arith.constant 0 : i32
    %dma_start3A_29 = tpu.memref_slice %arg3[%dma_start3A_27, %dma_start3A_28] : memref<100000x128xf32, #tpu.memory_space<hbm>> -> memref<100000x128xf32, #tpu.memory_space<hbm>>
    %dma_start3A_30 = tpu.memref_slice %arg7[%dma_start3A_19] : memref<4x!tpu.dma_semaphore, #tpu.memory_space<semaphore_mem>> -> memref<1x!tpu.dma_semaphore, #tpu.memory_space<semaphore_mem>>
    %dma_start3A_31 = tpu.memref_squeeze %dma_start3A_30 : memref<1x!tpu.dma_semaphore, #tpu.memory_space<semaphore_mem>> -> memref<!tpu.dma_semaphore, #tpu.memory_space<semaphore_mem>>
    tpu.enqueue_indirect_dma source(%dma_start3A_29 : memref<100000x128xf32, #tpu.memory_space<hbm>>) target(%dma_start3A_23 : memref<50x128xf32, #tpu.memory_space<vmem>>) offsets(%dma_start3A_26 : memref<50xi32, #tpu.memory_space<vmem>>) semaphore(%dma_start3A_31 : memref<!tpu.dma_semaphore, #tpu.memory_space<semaphore_mem>>)
    %scan3A = arith.constant 0 : i32
    %scan3A_32 = arith.constant 0 : i32
    %scan3A_33 = arith.constant 32 : i32
    %scan3A_34 = arith.addi %scan3A_32, %scan3A_33 : i32
    %scan3A_35 = arith.constant 1 : i32
    %scan3A_36 = scf.for %scan3A_117 = %scan3A_32 to %scan3A_34 step %scan3A_35 iter_args(%scan3A_118 = %scan3A) -> (i32)  : i32 {
      %mul3A_119 = arith.constant 4 : i32
      %mul3A_120 = arith.muli %scan3A_117, %mul3A_119 : i32
      %add3A_121 = arith.constant 0 : i32
      %add3A_122 = arith.addi %mul3A_120, %add3A_121 : i32
      %add3A_123 = arith.constant 2 : i32
      %add3A_124 = arith.addi %add3A_122, %add3A_123 : i32
      %lt3A = arith.constant 128 : i32
      %lt3A_125 = arith.cmpi slt, %add3A_124, %lt3A : i32
      %convert_element_type3A = arith.extui %lt3A_125 : i1 to i32
      %cond3A = arith.constant 0 : i32
      %cond3A_126 = arith.cmpi ne, %convert_element_type3A, %cond3A : i32
      scf.if %cond3A_126 {
        %add3A_305 = arith.constant 2 : i32
        %add3A_306 = arith.addi %add3A_122, %add3A_305 : i32
        %ge3A = arith.constant 4 : i32
        %ge3A_307 = arith.cmpi sge, %add3A_306, %ge3A : i32
        %convert_element_type3A_308 = arith.extui %ge3A_307 : i1 to i32
        %cond3A_309 = arith.constant 0 : i32
        %cond3A_310 = arith.cmpi ne, %convert_element_type3A_308, %cond3A_309 : i32
        scf.if %cond3A_310 {
          %dma_wait3A_327 = arith.constant 2 : i32
          %dma_wait3A_328 = arith.constant 2 : i32
          %dma_wait3A_329 = arith.constant 0 : i32
          %dma_wait3A_330 = arith.constant 0 : i32
          %dma_wait3A_331 = tpu.memref_slice %arg6[%dma_wait3A_327, %dma_wait3A_329, %dma_wait3A_330] : memref<4x50x128xf32, #tpu.memory_space<vmem>> -> memref<1x50x128xf32, #tpu.memory_space<vmem>>
          %dma_wait3A_332 = tpu.memref_squeeze %dma_wait3A_331 : memref<1x50x128xf32, #tpu.memory_space<vmem>> -> memref<50x128xf32, #tpu.memory_space<vmem>>
          %dma_wait3A_333 = arith.constant 0 : i32
          %dma_wait3A_334 = arith.constant 0 : i32
          %dma_wait3A_335 = tpu.memref_slice %arg4[%mul3A_2, %dma_wait3A_333, %dma_wait3A_334] : memref<4096x50x128xf32, #tpu.memory_space<hbm>> -> memref<1x50x128xf32, #tpu.memory_space<hbm>>
          %dma_wait3A_336 = tpu.memref_squeeze %dma_wait3A_335 : memref<1x50x128xf32, #tpu.memory_space<hbm>> -> memref<50x128xf32, #tpu.memory_space<hbm>>
          %dma_wait3A_337 = tpu.memref_slice %arg8[%dma_wait3A_328] : memref<4x!tpu.dma_semaphore, #tpu.memory_space<semaphore_mem>> -> memref<1x!tpu.dma_semaphore, #tpu.memory_space<semaphore_mem>>
          %dma_wait3A_338 = tpu.memref_squeeze %dma_wait3A_337 : memref<1x!tpu.dma_semaphore, #tpu.memory_space<semaphore_mem>> -> memref<!tpu.dma_semaphore, #tpu.memory_space<semaphore_mem>>
          %dma_wait3A_339 = arith.constant 0 : i32
          %dma_wait3A_340 = arith.constant 0 : i32
          %dma_wait3A_341 = tpu.memref_slice %arg4[%mul3A_2, %dma_wait3A_339, %dma_wait3A_340] : memref<4096x50x128xf32, #tpu.memory_space<hbm>> -> memref<1x50x128xf32, #tpu.memory_space<hbm>>
          %dma_wait3A_342 = tpu.memref_squeeze %dma_wait3A_341 : memref<1x50x128xf32, #tpu.memory_space<hbm>> -> memref<50x128xf32, #tpu.memory_space<hbm>>
          %dma_wait3A_343 = arith.constant 0 : i32
          %dma_wait3A_344 = arith.constant 0 : i32
          %dma_wait3A_345 = tpu.memref_slice %arg6[%dma_wait3A_327, %dma_wait3A_343, %dma_wait3A_344] : memref<4x50x128xf32, #tpu.memory_space<vmem>> -> memref<1x50x128xf32, #tpu.memory_space<vmem>>
          %dma_wait3A_346 = tpu.memref_squeeze %dma_wait3A_345 : memref<1x50x128xf32, #tpu.memory_space<vmem>> -> memref<50x128xf32, #tpu.memory_space<vmem>>
          tpu.wait_dma2 semaphore(%dma_wait3A_338 : memref<!tpu.dma_semaphore, #tpu.memory_space<semaphore_mem>>) src(%dma_wait3A_346 : memref<50x128xf32, #tpu.memory_space<vmem>>) dst(%dma_wait3A_342 : memref<50x128xf32, #tpu.memory_space<hbm>>)
        } else {
        }
        %add3A_311 = arith.constant 2 : i32
        %add3A_312 = arith.addi %add3A_122, %add3A_311 : i32
        %dma_start3A_313 = arith.constant 2 : i32
        %dma_start3A_314 = arith.constant 2 : i32
        %dma_start3A_315 = arith.constant 0 : i32
        %dma_start3A_316 = arith.constant 0 : i32
        %dma_start3A_317 = tpu.memref_slice %arg6[%dma_start3A_313, %dma_start3A_315, %dma_start3A_316] : memref<4x50x128xf32, #tpu.memory_space<vmem>> -> memref<1x50x128xf32, #tpu.memory_space<vmem>>
        %dma_start3A_318 = tpu.memref_squeeze %dma_start3A_317 : memref<1x50x128xf32, #tpu.memory_space<vmem>> -> memref<50x128xf32, #tpu.memory_space<vmem>>
        %dma_start3A_319 = arith.constant 0 : i32
        %dma_start3A_320 = tpu.memref_slice %arg5[%add3A_312, %dma_start3A_319] : memref<128x50xi32, #tpu.memory_space<vmem>> -> memref<1x50xi32, #tpu.memory_space<vmem>>
        %dma_start3A_321 = tpu.memref_squeeze %dma_start3A_320 : memref<1x50xi32, #tpu.memory_space<vmem>> -> memref<50xi32, #tpu.memory_space<vmem>>
        %dma_start3A_322 = arith.constant 0 : i32
        %dma_start3A_323 = arith.constant 0 : i32
        %dma_start3A_324 = tpu.memref_slice %arg3[%dma_start3A_322, %dma_start3A_323] : memref<100000x128xf32, #tpu.memory_space<hbm>> -> memref<100000x128xf32, #tpu.memory_space<hbm>>
        %dma_start3A_325 = tpu.memref_slice %arg7[%dma_start3A_314] : memref<4x!tpu.dma_semaphore, #tpu.memory_space<semaphore_mem>> -> memref<1x!tpu.dma_semaphore, #tpu.memory_space<semaphore_mem>>
        %dma_start3A_326 = tpu.memref_squeeze %dma_start3A_325 : memref<1x!tpu.dma_semaphore, #tpu.memory_space<semaphore_mem>> -> memref<!tpu.dma_semaphore, #tpu.memory_space<semaphore_mem>>
        tpu.enqueue_indirect_dma source(%dma_start3A_324 : memref<100000x128xf32, #tpu.memory_space<hbm>>) target(%dma_start3A_318 : memref<50x128xf32, #tpu.memory_space<vmem>>) offsets(%dma_start3A_321 : memref<50xi32, #tpu.memory_space<vmem>>) semaphore(%dma_start3A_326 : memref<!tpu.dma_semaphore, #tpu.memory_space<semaphore_mem>>)
      } else {
      }
      %dma_wait3A_127 = arith.constant 0 : i32
      %dma_wait3A_128 = arith.constant 0 : i32
      %dma_wait3A_129 = arith.constant 0 : i32
      %dma_wait3A_130 = arith.constant 0 : i32
      %dma_wait3A_131 = arith.constant 0 : i32
      %dma_wait3A_132 = tpu.memref_slice %arg6[%dma_wait3A_128, %dma_wait3A_130, %dma_wait3A_131] : memref<4x50x128xf32, #tpu.memory_space<vmem>> -> memref<1x50x128xf32, #tpu.memory_space<vmem>>
      %dma_wait3A_133 = tpu.memref_squeeze %dma_wait3A_132 : memref<1x50x128xf32, #tpu.memory_space<vmem>> -> memref<50x128xf32, #tpu.memory_space<vmem>>
      %dma_wait3A_134 = arith.constant 0 : i32
      %dma_wait3A_135 = tpu.memref_slice %arg5[%dma_wait3A_127, %dma_wait3A_134] : memref<128x50xi32, #tpu.memory_space<vmem>> -> memref<1x50xi32, #tpu.memory_space<vmem>>
      %dma_wait3A_136 = tpu.memref_squeeze %dma_wait3A_135 : memref<1x50xi32, #tpu.memory_space<vmem>> -> memref<50xi32, #tpu.memory_space<vmem>>
      %dma_wait3A_137 = arith.constant 0 : i32
      %dma_wait3A_138 = arith.constant 0 : i32
      %dma_wait3A_139 = tpu.memref_slice %arg3[%dma_wait3A_137, %dma_wait3A_138] : memref<100000x128xf32, #tpu.memory_space<hbm>> -> memref<100000x128xf32, #tpu.memory_space<hbm>>
      %dma_wait3A_140 = tpu.memref_slice %arg7[%dma_wait3A_129] : memref<4x!tpu.dma_semaphore, #tpu.memory_space<semaphore_mem>> -> memref<1x!tpu.dma_semaphore, #tpu.memory_space<semaphore_mem>>
      %dma_wait3A_141 = tpu.memref_squeeze %dma_wait3A_140 : memref<1x!tpu.dma_semaphore, #tpu.memory_space<semaphore_mem>> -> memref<!tpu.dma_semaphore, #tpu.memory_space<semaphore_mem>>
      tpu.wait_indirect_dma semaphore(%dma_wait3A_141 : memref<!tpu.dma_semaphore, #tpu.memory_space<semaphore_mem>>) src(%dma_wait3A_139 : memref<100000x128xf32, #tpu.memory_space<hbm>>) dst(%dma_wait3A_133 : memref<50x128xf32, #tpu.memory_space<vmem>>)
      %add3A_142 = arith.addi %mul3A_2, %add3A_122 : i32
      %dma_start3A_143 = arith.constant 0 : i32
      %dma_start3A_144 = arith.constant 0 : i32
      %dma_start3A_145 = arith.constant 0 : i32
      %dma_start3A_146 = arith.constant 0 : i32
      %dma_start3A_147 = tpu.memref_slice %arg6[%dma_start3A_143, %dma_start3A_145, %dma_start3A_146] : memref<4x50x128xf32, #tpu.memory_space<vmem>> -> memref<1x50x128xf32, #tpu.memory_space<vmem>>
      %dma_start3A_148 = tpu.memref_squeeze %dma_start3A_147 : memref<1x50x128xf32, #tpu.memory_space<vmem>> -> memref<50x128xf32, #tpu.memory_space<vmem>>
      %dma_start3A_149 = arith.constant 0 : i32
      %dma_start3A_150 = arith.constant 0 : i32
      %dma_start3A_151 = tpu.memref_slice %arg4[%add3A_142, %dma_start3A_149, %dma_start3A_150] : memref<4096x50x128xf32, #tpu.memory_space<hbm>> -> memref<1x50x128xf32, #tpu.memory_space<hbm>>
      %dma_start3A_152 = tpu.memref_squeeze %dma_start3A_151 : memref<1x50x128xf32, #tpu.memory_space<hbm>> -> memref<50x128xf32, #tpu.memory_space<hbm>>
      %dma_start3A_153 = tpu.memref_slice %arg8[%dma_start3A_144] : memref<4x!tpu.dma_semaphore, #tpu.memory_space<semaphore_mem>> -> memref<1x!tpu.dma_semaphore, #tpu.memory_space<semaphore_mem>>
      %dma_start3A_154 = tpu.memref_squeeze %dma_start3A_153 : memref<1x!tpu.dma_semaphore, #tpu.memory_space<semaphore_mem>> -> memref<!tpu.dma_semaphore, #tpu.memory_space<semaphore_mem>>
      %dma_start3A_155 = arith.constant 0 : i32
      %dma_start3A_156 = arith.constant 0 : i32
      %dma_start3A_157 = tpu.memref_slice %arg4[%add3A_142, %dma_start3A_155, %dma_start3A_156] : memref<4096x50x128xf32, #tpu.memory_space<hbm>> -> memref<1x50x128xf32, #tpu.memory_space<hbm>>
      %dma_start3A_158 = tpu.memref_squeeze %dma_start3A_157 : memref<1x50x128xf32, #tpu.memory_space<hbm>> -> memref<50x128xf32, #tpu.memory_space<hbm>>
      %dma_start3A_159 = arith.constant 0 : i32
      %dma_start3A_160 = arith.constant 0 : i32
      %dma_start3A_161 = tpu.memref_slice %arg6[%dma_start3A_143, %dma_start3A_159, %dma_start3A_160] : memref<4x50x128xf32, #tpu.memory_space<vmem>> -> memref<1x50x128xf32, #tpu.memory_space<vmem>>
      %dma_start3A_162 = tpu.memref_squeeze %dma_start3A_161 : memref<1x50x128xf32, #tpu.memory_space<vmem>> -> memref<50x128xf32, #tpu.memory_space<vmem>>
      tpu.enqueue_dma source(%dma_start3A_162 : memref<50x128xf32, #tpu.memory_space<vmem>>) target(%dma_start3A_158 : memref<50x128xf32, #tpu.memory_space<hbm>>) target_semaphore(%dma_start3A_154 : memref<!tpu.dma_semaphore, #tpu.memory_space<semaphore_mem>>)
      %mul3A_163 = arith.constant 4 : i32
      %mul3A_164 = arith.muli %scan3A_117, %mul3A_163 : i32
      %add3A_165 = arith.constant 1 : i32
      %add3A_166 = arith.addi %mul3A_164, %add3A_165 : i32
      %add3A_167 = arith.constant 2 : i32
      %add3A_168 = arith.addi %add3A_166, %add3A_167 : i32
      %lt3A_169 = arith.constant 128 : i32
      %lt3A_170 = arith.cmpi slt, %add3A_168, %lt3A_169 : i32
      %convert_element_type3A_171 = arith.extui %lt3A_170 : i1 to i32
      %cond3A_172 = arith.constant 0 : i32
      %cond3A_173 = arith.cmpi ne, %convert_element_type3A_171, %cond3A_172 : i32
      scf.if %cond3A_173 {
        %add3A_305 = arith.constant 2 : i32
        %add3A_306 = arith.addi %add3A_166, %add3A_305 : i32
        %ge3A = arith.constant 4 : i32
        %ge3A_307 = arith.cmpi sge, %add3A_306, %ge3A : i32
        %convert_element_type3A_308 = arith.extui %ge3A_307 : i1 to i32
        %cond3A_309 = arith.constant 0 : i32
        %cond3A_310 = arith.cmpi ne, %convert_element_type3A_308, %cond3A_309 : i32
        scf.if %cond3A_310 {
          %dma_wait3A_327 = arith.constant 3 : i32
          %dma_wait3A_328 = arith.constant 3 : i32
          %dma_wait3A_329 = arith.constant 0 : i32
          %dma_wait3A_330 = arith.constant 0 : i32
          %dma_wait3A_331 = tpu.memref_slice %arg6[%dma_wait3A_327, %dma_wait3A_329, %dma_wait3A_330] : memref<4x50x128xf32, #tpu.memory_space<vmem>> -> memref<1x50x128xf32, #tpu.memory_space<vmem>>
          %dma_wait3A_332 = tpu.memref_squeeze %dma_wait3A_331 : memref<1x50x128xf32, #tpu.memory_space<vmem>> -> memref<50x128xf32, #tpu.memory_space<vmem>>
          %dma_wait3A_333 = arith.constant 0 : i32
          %dma_wait3A_334 = arith.constant 0 : i32
          %dma_wait3A_335 = tpu.memref_slice %arg4[%mul3A_2, %dma_wait3A_333, %dma_wait3A_334] : memref<4096x50x128xf32, #tpu.memory_space<hbm>> -> memref<1x50x128xf32, #tpu.memory_space<hbm>>
          %dma_wait3A_336 = tpu.memref_squeeze %dma_wait3A_335 : memref<1x50x128xf32, #tpu.memory_space<hbm>> -> memref<50x128xf32, #tpu.memory_space<hbm>>
          %dma_wait3A_337 = tpu.memref_slice %arg8[%dma_wait3A_328] : memref<4x!tpu.dma_semaphore, #tpu.memory_space<semaphore_mem>> -> memref<1x!tpu.dma_semaphore, #tpu.memory_space<semaphore_mem>>
          %dma_wait3A_338 = tpu.memref_squeeze %dma_wait3A_337 : memref<1x!tpu.dma_semaphore, #tpu.memory_space<semaphore_mem>> -> memref<!tpu.dma_semaphore, #tpu.memory_space<semaphore_mem>>
          %dma_wait3A_339 = arith.constant 0 : i32
          %dma_wait3A_340 = arith.constant 0 : i32
          %dma_wait3A_341 = tpu.memref_slice %arg4[%mul3A_2, %dma_wait3A_339, %dma_wait3A_340] : memref<4096x50x128xf32, #tpu.memory_space<hbm>> -> memref<1x50x128xf32, #tpu.memory_space<hbm>>
          %dma_wait3A_342 = tpu.memref_squeeze %dma_wait3A_341 : memref<1x50x128xf32, #tpu.memory_space<hbm>> -> memref<50x128xf32, #tpu.memory_space<hbm>>
          %dma_wait3A_343 = arith.constant 0 : i32
          %dma_wait3A_344 = arith.constant 0 : i32
          %dma_wait3A_345 = tpu.memref_slice %arg6[%dma_wait3A_327, %dma_wait3A_343, %dma_wait3A_344] : memref<4x50x128xf32, #tpu.memory_space<vmem>> -> memref<1x50x128xf32, #tpu.memory_space<vmem>>
          %dma_wait3A_346 = tpu.memref_squeeze %dma_wait3A_345 : memref<1x50x128xf32, #tpu.memory_space<vmem>> -> memref<50x128xf32, #tpu.memory_space<vmem>>
          tpu.wait_dma2 semaphore(%dma_wait3A_338 : memref<!tpu.dma_semaphore, #tpu.memory_space<semaphore_mem>>) src(%dma_wait3A_346 : memref<50x128xf32, #tpu.memory_space<vmem>>) dst(%dma_wait3A_342 : memref<50x128xf32, #tpu.memory_space<hbm>>)
        } else {
        }
        %add3A_311 = arith.constant 2 : i32
        %add3A_312 = arith.addi %add3A_166, %add3A_311 : i32
        %dma_start3A_313 = arith.constant 3 : i32
        %dma_start3A_314 = arith.constant 3 : i32
        %dma_start3A_315 = arith.constant 0 : i32
        %dma_start3A_316 = arith.constant 0 : i32
        %dma_start3A_317 = tpu.memref_slice %arg6[%dma_start3A_313, %dma_start3A_315, %dma_start3A_316] : memref<4x50x128xf32, #tpu.memory_space<vmem>> -> memref<1x50x128xf32, #tpu.memory_space<vmem>>
        %dma_start3A_318 = tpu.memref_squeeze %dma_start3A_317 : memref<1x50x128xf32, #tpu.memory_space<vmem>> -> memref<50x128xf32, #tpu.memory_space<vmem>>
        %dma_start3A_319 = arith.constant 0 : i32
        %dma_start3A_320 = tpu.memref_slice %arg5[%add3A_312, %dma_start3A_319] : memref<128x50xi32, #tpu.memory_space<vmem>> -> memref<1x50xi32, #tpu.memory_space<vmem>>
        %dma_start3A_321 = tpu.memref_squeeze %dma_start3A_320 : memref<1x50xi32, #tpu.memory_space<vmem>> -> memref<50xi32, #tpu.memory_space<vmem>>
        %dma_start3A_322 = arith.constant 0 : i32
        %dma_start3A_323 = arith.constant 0 : i32
        %dma_start3A_324 = tpu.memref_slice %arg3[%dma_start3A_322, %dma_start3A_323] : memref<100000x128xf32, #tpu.memory_space<hbm>> -> memref<100000x128xf32, #tpu.memory_space<hbm>>
        %dma_start3A_325 = tpu.memref_slice %arg7[%dma_start3A_314] : memref<4x!tpu.dma_semaphore, #tpu.memory_space<semaphore_mem>> -> memref<1x!tpu.dma_semaphore, #tpu.memory_space<semaphore_mem>>
        %dma_start3A_326 = tpu.memref_squeeze %dma_start3A_325 : memref<1x!tpu.dma_semaphore, #tpu.memory_space<semaphore_mem>> -> memref<!tpu.dma_semaphore, #tpu.memory_space<semaphore_mem>>
        tpu.enqueue_indirect_dma source(%dma_start3A_324 : memref<100000x128xf32, #tpu.memory_space<hbm>>) target(%dma_start3A_318 : memref<50x128xf32, #tpu.memory_space<vmem>>) offsets(%dma_start3A_321 : memref<50xi32, #tpu.memory_space<vmem>>) semaphore(%dma_start3A_326 : memref<!tpu.dma_semaphore, #tpu.memory_space<semaphore_mem>>)
      } else {
      }
      %dma_wait3A_174 = arith.constant 0 : i32
      %dma_wait3A_175 = arith.constant 1 : i32
      %dma_wait3A_176 = arith.constant 1 : i32
      %dma_wait3A_177 = arith.constant 0 : i32
      %dma_wait3A_178 = arith.constant 0 : i32
      %dma_wait3A_179 = tpu.memref_slice %arg6[%dma_wait3A_175, %dma_wait3A_177, %dma_wait3A_178] : memref<4x50x128xf32, #tpu.memory_space<vmem>> -> memref<1x50x128xf32, #tpu.memory_space<vmem>>
      %dma_wait3A_180 = tpu.memref_squeeze %dma_wait3A_179 : memref<1x50x128xf32, #tpu.memory_space<vmem>> -> memref<50x128xf32, #tpu.memory_space<vmem>>
      %dma_wait3A_181 = arith.constant 0 : i32
      %dma_wait3A_182 = tpu.memref_slice %arg5[%dma_wait3A_174, %dma_wait3A_181] : memref<128x50xi32, #tpu.memory_space<vmem>> -> memref<1x50xi32, #tpu.memory_space<vmem>>
      %dma_wait3A_183 = tpu.memref_squeeze %dma_wait3A_182 : memref<1x50xi32, #tpu.memory_space<vmem>> -> memref<50xi32, #tpu.memory_space<vmem>>
      %dma_wait3A_184 = arith.constant 0 : i32
      %dma_wait3A_185 = arith.constant 0 : i32
      %dma_wait3A_186 = tpu.memref_slice %arg3[%dma_wait3A_184, %dma_wait3A_185] : memref<100000x128xf32, #tpu.memory_space<hbm>> -> memref<100000x128xf32, #tpu.memory_space<hbm>>
      %dma_wait3A_187 = tpu.memref_slice %arg7[%dma_wait3A_176] : memref<4x!tpu.dma_semaphore, #tpu.memory_space<semaphore_mem>> -> memref<1x!tpu.dma_semaphore, #tpu.memory_space<semaphore_mem>>
      %dma_wait3A_188 = tpu.memref_squeeze %dma_wait3A_187 : memref<1x!tpu.dma_semaphore, #tpu.memory_space<semaphore_mem>> -> memref<!tpu.dma_semaphore, #tpu.memory_space<semaphore_mem>>
      tpu.wait_indirect_dma semaphore(%dma_wait3A_188 : memref<!tpu.dma_semaphore, #tpu.memory_space<semaphore_mem>>) src(%dma_wait3A_186 : memref<100000x128xf32, #tpu.memory_space<hbm>>) dst(%dma_wait3A_180 : memref<50x128xf32, #tpu.memory_space<vmem>>)
      %add3A_189 = arith.addi %mul3A_2, %add3A_166 : i32
      %dma_start3A_190 = arith.constant 1 : i32
      %dma_start3A_191 = arith.constant 1 : i32
      %dma_start3A_192 = arith.constant 0 : i32
      %dma_start3A_193 = arith.constant 0 : i32
      %dma_start3A_194 = tpu.memref_slice %arg6[%dma_start3A_190, %dma_start3A_192, %dma_start3A_193] : memref<4x50x128xf32, #tpu.memory_space<vmem>> -> memref<1x50x128xf32, #tpu.memory_space<vmem>>
      %dma_start3A_195 = tpu.memref_squeeze %dma_start3A_194 : memref<1x50x128xf32, #tpu.memory_space<vmem>> -> memref<50x128xf32, #tpu.memory_space<vmem>>
      %dma_start3A_196 = arith.constant 0 : i32
      %dma_start3A_197 = arith.constant 0 : i32
      %dma_start3A_198 = tpu.memref_slice %arg4[%add3A_189, %dma_start3A_196, %dma_start3A_197] : memref<4096x50x128xf32, #tpu.memory_space<hbm>> -> memref<1x50x128xf32, #tpu.memory_space<hbm>>
      %dma_start3A_199 = tpu.memref_squeeze %dma_start3A_198 : memref<1x50x128xf32, #tpu.memory_space<hbm>> -> memref<50x128xf32, #tpu.memory_space<hbm>>
      %dma_start3A_200 = tpu.memref_slice %arg8[%dma_start3A_191] : memref<4x!tpu.dma_semaphore, #tpu.memory_space<semaphore_mem>> -> memref<1x!tpu.dma_semaphore, #tpu.memory_space<semaphore_mem>>
      %dma_start3A_201 = tpu.memref_squeeze %dma_start3A_200 : memref<1x!tpu.dma_semaphore, #tpu.memory_space<semaphore_mem>> -> memref<!tpu.dma_semaphore, #tpu.memory_space<semaphore_mem>>
      %dma_start3A_202 = arith.constant 0 : i32
      %dma_start3A_203 = arith.constant 0 : i32
      %dma_start3A_204 = tpu.memref_slice %arg4[%add3A_189, %dma_start3A_202, %dma_start3A_203] : memref<4096x50x128xf32, #tpu.memory_space<hbm>> -> memref<1x50x128xf32, #tpu.memory_space<hbm>>
      %dma_start3A_205 = tpu.memref_squeeze %dma_start3A_204 : memref<1x50x128xf32, #tpu.memory_space<hbm>> -> memref<50x128xf32, #tpu.memory_space<hbm>>
      %dma_start3A_206 = arith.constant 0 : i32
      %dma_start3A_207 = arith.constant 0 : i32
      %dma_start3A_208 = tpu.memref_slice %arg6[%dma_start3A_190, %dma_start3A_206, %dma_start3A_207] : memref<4x50x128xf32, #tpu.memory_space<vmem>> -> memref<1x50x128xf32, #tpu.memory_space<vmem>>
      %dma_start3A_209 = tpu.memref_squeeze %dma_start3A_208 : memref<1x50x128xf32, #tpu.memory_space<vmem>> -> memref<50x128xf32, #tpu.memory_space<vmem>>
      tpu.enqueue_dma source(%dma_start3A_209 : memref<50x128xf32, #tpu.memory_space<vmem>>) target(%dma_start3A_205 : memref<50x128xf32, #tpu.memory_space<hbm>>) target_semaphore(%dma_start3A_201 : memref<!tpu.dma_semaphore, #tpu.memory_space<semaphore_mem>>)
      %mul3A_210 = arith.constant 4 : i32
      %mul3A_211 = arith.muli %scan3A_117, %mul3A_210 : i32
      %add3A_212 = arith.constant 2 : i32
      %add3A_213 = arith.addi %mul3A_211, %add3A_212 : i32
      %add3A_214 = arith.constant 2 : i32
      %add3A_215 = arith.addi %add3A_213, %add3A_214 : i32
      %lt3A_216 = arith.constant 128 : i32
      %lt3A_217 = arith.cmpi slt, %add3A_215, %lt3A_216 : i32
      %convert_element_type3A_218 = arith.extui %lt3A_217 : i1 to i32
      %cond3A_219 = arith.constant 0 : i32
      %cond3A_220 = arith.cmpi ne, %convert_element_type3A_218, %cond3A_219 : i32
      scf.if %cond3A_220 {
        %add3A_305 = arith.constant 2 : i32
        %add3A_306 = arith.addi %add3A_213, %add3A_305 : i32
        %ge3A = arith.constant 4 : i32
        %ge3A_307 = arith.cmpi sge, %add3A_306, %ge3A : i32
        %convert_element_type3A_308 = arith.extui %ge3A_307 : i1 to i32
        %cond3A_309 = arith.constant 0 : i32
        %cond3A_310 = arith.cmpi ne, %convert_element_type3A_308, %cond3A_309 : i32
        scf.if %cond3A_310 {
          %dma_wait3A_327 = arith.constant 0 : i32
          %dma_wait3A_328 = arith.constant 0 : i32
          %dma_wait3A_329 = arith.constant 0 : i32
          %dma_wait3A_330 = arith.constant 0 : i32
          %dma_wait3A_331 = tpu.memref_slice %arg6[%dma_wait3A_327, %dma_wait3A_329, %dma_wait3A_330] : memref<4x50x128xf32, #tpu.memory_space<vmem>> -> memref<1x50x128xf32, #tpu.memory_space<vmem>>
          %dma_wait3A_332 = tpu.memref_squeeze %dma_wait3A_331 : memref<1x50x128xf32, #tpu.memory_space<vmem>> -> memref<50x128xf32, #tpu.memory_space<vmem>>
          %dma_wait3A_333 = arith.constant 0 : i32
          %dma_wait3A_334 = arith.constant 0 : i32
          %dma_wait3A_335 = tpu.memref_slice %arg4[%mul3A_2, %dma_wait3A_333, %dma_wait3A_334] : memref<4096x50x128xf32, #tpu.memory_space<hbm>> -> memref<1x50x128xf32, #tpu.memory_space<hbm>>
          %dma_wait3A_336 = tpu.memref_squeeze %dma_wait3A_335 : memref<1x50x128xf32, #tpu.memory_space<hbm>> -> memref<50x128xf32, #tpu.memory_space<hbm>>
          %dma_wait3A_337 = tpu.memref_slice %arg8[%dma_wait3A_328] : memref<4x!tpu.dma_semaphore, #tpu.memory_space<semaphore_mem>> -> memref<1x!tpu.dma_semaphore, #tpu.memory_space<semaphore_mem>>
          %dma_wait3A_338 = tpu.memref_squeeze %dma_wait3A_337 : memref<1x!tpu.dma_semaphore, #tpu.memory_space<semaphore_mem>> -> memref<!tpu.dma_semaphore, #tpu.memory_space<semaphore_mem>>
          %dma_wait3A_339 = arith.constant 0 : i32
          %dma_wait3A_340 = arith.constant 0 : i32
          %dma_wait3A_341 = tpu.memref_slice %arg4[%mul3A_2, %dma_wait3A_339, %dma_wait3A_340] : memref<4096x50x128xf32, #tpu.memory_space<hbm>> -> memref<1x50x128xf32, #tpu.memory_space<hbm>>
          %dma_wait3A_342 = tpu.memref_squeeze %dma_wait3A_341 : memref<1x50x128xf32, #tpu.memory_space<hbm>> -> memref<50x128xf32, #tpu.memory_space<hbm>>
          %dma_wait3A_343 = arith.constant 0 : i32
          %dma_wait3A_344 = arith.constant 0 : i32
          %dma_wait3A_345 = tpu.memref_slice %arg6[%dma_wait3A_327, %dma_wait3A_343, %dma_wait3A_344] : memref<4x50x128xf32, #tpu.memory_space<vmem>> -> memref<1x50x128xf32, #tpu.memory_space<vmem>>
          %dma_wait3A_346 = tpu.memref_squeeze %dma_wait3A_345 : memref<1x50x128xf32, #tpu.memory_space<vmem>> -> memref<50x128xf32, #tpu.memory_space<vmem>>
          tpu.wait_dma2 semaphore(%dma_wait3A_338 : memref<!tpu.dma_semaphore, #tpu.memory_space<semaphore_mem>>) src(%dma_wait3A_346 : memref<50x128xf32, #tpu.memory_space<vmem>>) dst(%dma_wait3A_342 : memref<50x128xf32, #tpu.memory_space<hbm>>)
        } else {
        }
        %add3A_311 = arith.constant 2 : i32
        %add3A_312 = arith.addi %add3A_213, %add3A_311 : i32
        %dma_start3A_313 = arith.constant 0 : i32
        %dma_start3A_314 = arith.constant 0 : i32
        %dma_start3A_315 = arith.constant 0 : i32
        %dma_start3A_316 = arith.constant 0 : i32
        %dma_start3A_317 = tpu.memref_slice %arg6[%dma_start3A_313, %dma_start3A_315, %dma_start3A_316] : memref<4x50x128xf32, #tpu.memory_space<vmem>> -> memref<1x50x128xf32, #tpu.memory_space<vmem>>
        %dma_start3A_318 = tpu.memref_squeeze %dma_start3A_317 : memref<1x50x128xf32, #tpu.memory_space<vmem>> -> memref<50x128xf32, #tpu.memory_space<vmem>>
        %dma_start3A_319 = arith.constant 0 : i32
        %dma_start3A_320 = tpu.memref_slice %arg5[%add3A_312, %dma_start3A_319] : memref<128x50xi32, #tpu.memory_space<vmem>> -> memref<1x50xi32, #tpu.memory_space<vmem>>
        %dma_start3A_321 = tpu.memref_squeeze %dma_start3A_320 : memref<1x50xi32, #tpu.memory_space<vmem>> -> memref<50xi32, #tpu.memory_space<vmem>>
        %dma_start3A_322 = arith.constant 0 : i32
        %dma_start3A_323 = arith.constant 0 : i32
        %dma_start3A_324 = tpu.memref_slice %arg3[%dma_start3A_322, %dma_start3A_323] : memref<100000x128xf32, #tpu.memory_space<hbm>> -> memref<100000x128xf32, #tpu.memory_space<hbm>>
        %dma_start3A_325 = tpu.memref_slice %arg7[%dma_start3A_314] : memref<4x!tpu.dma_semaphore, #tpu.memory_space<semaphore_mem>> -> memref<1x!tpu.dma_semaphore, #tpu.memory_space<semaphore_mem>>
        %dma_start3A_326 = tpu.memref_squeeze %dma_start3A_325 : memref<1x!tpu.dma_semaphore, #tpu.memory_space<semaphore_mem>> -> memref<!tpu.dma_semaphore, #tpu.memory_space<semaphore_mem>>
        tpu.enqueue_indirect_dma source(%dma_start3A_324 : memref<100000x128xf32, #tpu.memory_space<hbm>>) target(%dma_start3A_318 : memref<50x128xf32, #tpu.memory_space<vmem>>) offsets(%dma_start3A_321 : memref<50xi32, #tpu.memory_space<vmem>>) semaphore(%dma_start3A_326 : memref<!tpu.dma_semaphore, #tpu.memory_space<semaphore_mem>>)
      } else {
      }
      %dma_wait3A_221 = arith.constant 0 : i32
      %dma_wait3A_222 = arith.constant 2 : i32
      %dma_wait3A_223 = arith.constant 2 : i32
      %dma_wait3A_224 = arith.constant 0 : i32
      %dma_wait3A_225 = arith.constant 0 : i32
      %dma_wait3A_226 = tpu.memref_slice %arg6[%dma_wait3A_222, %dma_wait3A_224, %dma_wait3A_225] : memref<4x50x128xf32, #tpu.memory_space<vmem>> -> memref<1x50x128xf32, #tpu.memory_space<vmem>>
      %dma_wait3A_227 = tpu.memref_squeeze %dma_wait3A_226 : memref<1x50x128xf32, #tpu.memory_space<vmem>> -> memref<50x128xf32, #tpu.memory_space<vmem>>
      %dma_wait3A_228 = arith.constant 0 : i32
      %dma_wait3A_229 = tpu.memref_slice %arg5[%dma_wait3A_221, %dma_wait3A_228] : memref<128x50xi32, #tpu.memory_space<vmem>> -> memref<1x50xi32, #tpu.memory_space<vmem>>
      %dma_wait3A_230 = tpu.memref_squeeze %dma_wait3A_229 : memref<1x50xi32, #tpu.memory_space<vmem>> -> memref<50xi32, #tpu.memory_space<vmem>>
      %dma_wait3A_231 = arith.constant 0 : i32
      %dma_wait3A_232 = arith.constant 0 : i32
      %dma_wait3A_233 = tpu.memref_slice %arg3[%dma_wait3A_231, %dma_wait3A_232] : memref<100000x128xf32, #tpu.memory_space<hbm>> -> memref<100000x128xf32, #tpu.memory_space<hbm>>
      %dma_wait3A_234 = tpu.memref_slice %arg7[%dma_wait3A_223] : memref<4x!tpu.dma_semaphore, #tpu.memory_space<semaphore_mem>> -> memref<1x!tpu.dma_semaphore, #tpu.memory_space<semaphore_mem>>
      %dma_wait3A_235 = tpu.memref_squeeze %dma_wait3A_234 : memref<1x!tpu.dma_semaphore, #tpu.memory_space<semaphore_mem>> -> memref<!tpu.dma_semaphore, #tpu.memory_space<semaphore_mem>>
      tpu.wait_indirect_dma semaphore(%dma_wait3A_235 : memref<!tpu.dma_semaphore, #tpu.memory_space<semaphore_mem>>) src(%dma_wait3A_233 : memref<100000x128xf32, #tpu.memory_space<hbm>>) dst(%dma_wait3A_227 : memref<50x128xf32, #tpu.memory_space<vmem>>)
      %add3A_236 = arith.addi %mul3A_2, %add3A_213 : i32
      %dma_start3A_237 = arith.constant 2 : i32
      %dma_start3A_238 = arith.constant 2 : i32
      %dma_start3A_239 = arith.constant 0 : i32
      %dma_start3A_240 = arith.constant 0 : i32
      %dma_start3A_241 = tpu.memref_slice %arg6[%dma_start3A_237, %dma_start3A_239, %dma_start3A_240] : memref<4x50x128xf32, #tpu.memory_space<vmem>> -> memref<1x50x128xf32, #tpu.memory_space<vmem>>
      %dma_start3A_242 = tpu.memref_squeeze %dma_start3A_241 : memref<1x50x128xf32, #tpu.memory_space<vmem>> -> memref<50x128xf32, #tpu.memory_space<vmem>>
      %dma_start3A_243 = arith.constant 0 : i32
      %dma_start3A_244 = arith.constant 0 : i32
      %dma_start3A_245 = tpu.memref_slice %arg4[%add3A_236, %dma_start3A_243, %dma_start3A_244] : memref<4096x50x128xf32, #tpu.memory_space<hbm>> -> memref<1x50x128xf32, #tpu.memory_space<hbm>>
      %dma_start3A_246 = tpu.memref_squeeze %dma_start3A_245 : memref<1x50x128xf32, #tpu.memory_space<hbm>> -> memref<50x128xf32, #tpu.memory_space<hbm>>
      %dma_start3A_247 = tpu.memref_slice %arg8[%dma_start3A_238] : memref<4x!tpu.dma_semaphore, #tpu.memory_space<semaphore_mem>> -> memref<1x!tpu.dma_semaphore, #tpu.memory_space<semaphore_mem>>
      %dma_start3A_248 = tpu.memref_squeeze %dma_start3A_247 : memref<1x!tpu.dma_semaphore, #tpu.memory_space<semaphore_mem>> -> memref<!tpu.dma_semaphore, #tpu.memory_space<semaphore_mem>>
      %dma_start3A_249 = arith.constant 0 : i32
      %dma_start3A_250 = arith.constant 0 : i32
      %dma_start3A_251 = tpu.memref_slice %arg4[%add3A_236, %dma_start3A_249, %dma_start3A_250] : memref<4096x50x128xf32, #tpu.memory_space<hbm>> -> memref<1x50x128xf32, #tpu.memory_space<hbm>>
      %dma_start3A_252 = tpu.memref_squeeze %dma_start3A_251 : memref<1x50x128xf32, #tpu.memory_space<hbm>> -> memref<50x128xf32, #tpu.memory_space<hbm>>
      %dma_start3A_253 = arith.constant 0 : i32
      %dma_start3A_254 = arith.constant 0 : i32
      %dma_start3A_255 = tpu.memref_slice %arg6[%dma_start3A_237, %dma_start3A_253, %dma_start3A_254] : memref<4x50x128xf32, #tpu.memory_space<vmem>> -> memref<1x50x128xf32, #tpu.memory_space<vmem>>
      %dma_start3A_256 = tpu.memref_squeeze %dma_start3A_255 : memref<1x50x128xf32, #tpu.memory_space<vmem>> -> memref<50x128xf32, #tpu.memory_space<vmem>>
      tpu.enqueue_dma source(%dma_start3A_256 : memref<50x128xf32, #tpu.memory_space<vmem>>) target(%dma_start3A_252 : memref<50x128xf32, #tpu.memory_space<hbm>>) target_semaphore(%dma_start3A_248 : memref<!tpu.dma_semaphore, #tpu.memory_space<semaphore_mem>>)
      %mul3A_257 = arith.constant 4 : i32
      %mul3A_258 = arith.muli %scan3A_117, %mul3A_257 : i32
      %add3A_259 = arith.constant 3 : i32
      %add3A_260 = arith.addi %mul3A_258, %add3A_259 : i32
      %add3A_261 = arith.constant 2 : i32
      %add3A_262 = arith.addi %add3A_260, %add3A_261 : i32
      %lt3A_263 = arith.constant 128 : i32
      %lt3A_264 = arith.cmpi slt, %add3A_262, %lt3A_263 : i32
      %convert_element_type3A_265 = arith.extui %lt3A_264 : i1 to i32
      %cond3A_266 = arith.constant 0 : i32
      %cond3A_267 = arith.cmpi ne, %convert_element_type3A_265, %cond3A_266 : i32
      scf.if %cond3A_267 {
        %add3A_305 = arith.constant 2 : i32
        %add3A_306 = arith.addi %add3A_260, %add3A_305 : i32
        %ge3A = arith.constant 4 : i32
        %ge3A_307 = arith.cmpi sge, %add3A_306, %ge3A : i32
        %convert_element_type3A_308 = arith.extui %ge3A_307 : i1 to i32
        %cond3A_309 = arith.constant 0 : i32
        %cond3A_310 = arith.cmpi ne, %convert_element_type3A_308, %cond3A_309 : i32
        scf.if %cond3A_310 {
          %dma_wait3A_327 = arith.constant 1 : i32
          %dma_wait3A_328 = arith.constant 1 : i32
          %dma_wait3A_329 = arith.constant 0 : i32
          %dma_wait3A_330 = arith.constant 0 : i32
          %dma_wait3A_331 = tpu.memref_slice %arg6[%dma_wait3A_327, %dma_wait3A_329, %dma_wait3A_330] : memref<4x50x128xf32, #tpu.memory_space<vmem>> -> memref<1x50x128xf32, #tpu.memory_space<vmem>>
          %dma_wait3A_332 = tpu.memref_squeeze %dma_wait3A_331 : memref<1x50x128xf32, #tpu.memory_space<vmem>> -> memref<50x128xf32, #tpu.memory_space<vmem>>
          %dma_wait3A_333 = arith.constant 0 : i32
          %dma_wait3A_334 = arith.constant 0 : i32
          %dma_wait3A_335 = tpu.memref_slice %arg4[%mul3A_2, %dma_wait3A_333, %dma_wait3A_334] : memref<4096x50x128xf32, #tpu.memory_space<hbm>> -> memref<1x50x128xf32, #tpu.memory_space<hbm>>
          %dma_wait3A_336 = tpu.memref_squeeze %dma_wait3A_335 : memref<1x50x128xf32, #tpu.memory_space<hbm>> -> memref<50x128xf32, #tpu.memory_space<hbm>>
          %dma_wait3A_337 = tpu.memref_slice %arg8[%dma_wait3A_328] : memref<4x!tpu.dma_semaphore, #tpu.memory_space<semaphore_mem>> -> memref<1x!tpu.dma_semaphore, #tpu.memory_space<semaphore_mem>>
          %dma_wait3A_338 = tpu.memref_squeeze %dma_wait3A_337 : memref<1x!tpu.dma_semaphore, #tpu.memory_space<semaphore_mem>> -> memref<!tpu.dma_semaphore, #tpu.memory_space<semaphore_mem>>
          %dma_wait3A_339 = arith.constant 0 : i32
          %dma_wait3A_340 = arith.constant 0 : i32
          %dma_wait3A_341 = tpu.memref_slice %arg4[%mul3A_2, %dma_wait3A_339, %dma_wait3A_340] : memref<4096x50x128xf32, #tpu.memory_space<hbm>> -> memref<1x50x128xf32, #tpu.memory_space<hbm>>
          %dma_wait3A_342 = tpu.memref_squeeze %dma_wait3A_341 : memref<1x50x128xf32, #tpu.memory_space<hbm>> -> memref<50x128xf32, #tpu.memory_space<hbm>>
          %dma_wait3A_343 = arith.constant 0 : i32
          %dma_wait3A_344 = arith.constant 0 : i32
          %dma_wait3A_345 = tpu.memref_slice %arg6[%dma_wait3A_327, %dma_wait3A_343, %dma_wait3A_344] : memref<4x50x128xf32, #tpu.memory_space<vmem>> -> memref<1x50x128xf32, #tpu.memory_space<vmem>>
          %dma_wait3A_346 = tpu.memref_squeeze %dma_wait3A_345 : memref<1x50x128xf32, #tpu.memory_space<vmem>> -> memref<50x128xf32, #tpu.memory_space<vmem>>
          tpu.wait_dma2 semaphore(%dma_wait3A_338 : memref<!tpu.dma_semaphore, #tpu.memory_space<semaphore_mem>>) src(%dma_wait3A_346 : memref<50x128xf32, #tpu.memory_space<vmem>>) dst(%dma_wait3A_342 : memref<50x128xf32, #tpu.memory_space<hbm>>)
        } else {
        }
        %add3A_311 = arith.constant 2 : i32
        %add3A_312 = arith.addi %add3A_260, %add3A_311 : i32
        %dma_start3A_313 = arith.constant 1 : i32
        %dma_start3A_314 = arith.constant 1 : i32
        %dma_start3A_315 = arith.constant 0 : i32
        %dma_start3A_316 = arith.constant 0 : i32
        %dma_start3A_317 = tpu.memref_slice %arg6[%dma_start3A_313, %dma_start3A_315, %dma_start3A_316] : memref<4x50x128xf32, #tpu.memory_space<vmem>> -> memref<1x50x128xf32, #tpu.memory_space<vmem>>
        %dma_start3A_318 = tpu.memref_squeeze %dma_start3A_317 : memref<1x50x128xf32, #tpu.memory_space<vmem>> -> memref<50x128xf32, #tpu.memory_space<vmem>>
        %dma_start3A_319 = arith.constant 0 : i32
        %dma_start3A_320 = tpu.memref_slice %arg5[%add3A_312, %dma_start3A_319] : memref<128x50xi32, #tpu.memory_space<vmem>> -> memref<1x50xi32, #tpu.memory_space<vmem>>
        %dma_start3A_321 = tpu.memref_squeeze %dma_start3A_320 : memref<1x50xi32, #tpu.memory_space<vmem>> -> memref<50xi32, #tpu.memory_space<vmem>>
        %dma_start3A_322 = arith.constant 0 : i32
        %dma_start3A_323 = arith.constant 0 : i32
        %dma_start3A_324 = tpu.memref_slice %arg3[%dma_start3A_322, %dma_start3A_323] : memref<100000x128xf32, #tpu.memory_space<hbm>> -> memref<100000x128xf32, #tpu.memory_space<hbm>>
        %dma_start3A_325 = tpu.memref_slice %arg7[%dma_start3A_314] : memref<4x!tpu.dma_semaphore, #tpu.memory_space<semaphore_mem>> -> memref<1x!tpu.dma_semaphore, #tpu.memory_space<semaphore_mem>>
        %dma_start3A_326 = tpu.memref_squeeze %dma_start3A_325 : memref<1x!tpu.dma_semaphore, #tpu.memory_space<semaphore_mem>> -> memref<!tpu.dma_semaphore, #tpu.memory_space<semaphore_mem>>
        tpu.enqueue_indirect_dma source(%dma_start3A_324 : memref<100000x128xf32, #tpu.memory_space<hbm>>) target(%dma_start3A_318 : memref<50x128xf32, #tpu.memory_space<vmem>>) offsets(%dma_start3A_321 : memref<50xi32, #tpu.memory_space<vmem>>) semaphore(%dma_start3A_326 : memref<!tpu.dma_semaphore, #tpu.memory_space<semaphore_mem>>)
      } else {
      }
      %dma_wait3A_268 = arith.constant 0 : i32
      %dma_wait3A_269 = arith.constant 3 : i32
      %dma_wait3A_270 = arith.constant 3 : i32
      %dma_wait3A_271 = arith.constant 0 : i32
      %dma_wait3A_272 = arith.constant 0 : i32
      %dma_wait3A_273 = tpu.memref_slice %arg6[%dma_wait3A_269, %dma_wait3A_271, %dma_wait3A_272] : memref<4x50x128xf32, #tpu.memory_space<vmem>> -> memref<1x50x128xf32, #tpu.memory_space<vmem>>
      %dma_wait3A_274 = tpu.memref_squeeze %dma_wait3A_273 : memref<1x50x128xf32, #tpu.memory_space<vmem>> -> memref<50x128xf32, #tpu.memory_space<vmem>>
      %dma_wait3A_275 = arith.constant 0 : i32
      %dma_wait3A_276 = tpu.memref_slice %arg5[%dma_wait3A_268, %dma_wait3A_275] : memref<128x50xi32, #tpu.memory_space<vmem>> -> memref<1x50xi32, #tpu.memory_space<vmem>>
      %dma_wait3A_277 = tpu.memref_squeeze %dma_wait3A_276 : memref<1x50xi32, #tpu.memory_space<vmem>> -> memref<50xi32, #tpu.memory_space<vmem>>
      %dma_wait3A_278 = arith.constant 0 : i32
      %dma_wait3A_279 = arith.constant 0 : i32
      %dma_wait3A_280 = tpu.memref_slice %arg3[%dma_wait3A_278, %dma_wait3A_279] : memref<100000x128xf32, #tpu.memory_space<hbm>> -> memref<100000x128xf32, #tpu.memory_space<hbm>>
      %dma_wait3A_281 = tpu.memref_slice %arg7[%dma_wait3A_270] : memref<4x!tpu.dma_semaphore, #tpu.memory_space<semaphore_mem>> -> memref<1x!tpu.dma_semaphore, #tpu.memory_space<semaphore_mem>>
      %dma_wait3A_282 = tpu.memref_squeeze %dma_wait3A_281 : memref<1x!tpu.dma_semaphore, #tpu.memory_space<semaphore_mem>> -> memref<!tpu.dma_semaphore, #tpu.memory_space<semaphore_mem>>
      tpu.wait_indirect_dma semaphore(%dma_wait3A_282 : memref<!tpu.dma_semaphore, #tpu.memory_space<semaphore_mem>>) src(%dma_wait3A_280 : memref<100000x128xf32, #tpu.memory_space<hbm>>) dst(%dma_wait3A_274 : memref<50x128xf32, #tpu.memory_space<vmem>>)
      %add3A_283 = arith.addi %mul3A_2, %add3A_260 : i32
      %dma_start3A_284 = arith.constant 3 : i32
      %dma_start3A_285 = arith.constant 3 : i32
      %dma_start3A_286 = arith.constant 0 : i32
      %dma_start3A_287 = arith.constant 0 : i32
      %dma_start3A_288 = tpu.memref_slice %arg6[%dma_start3A_284, %dma_start3A_286, %dma_start3A_287] : memref<4x50x128xf32, #tpu.memory_space<vmem>> -> memref<1x50x128xf32, #tpu.memory_space<vmem>>
      %dma_start3A_289 = tpu.memref_squeeze %dma_start3A_288 : memref<1x50x128xf32, #tpu.memory_space<vmem>> -> memref<50x128xf32, #tpu.memory_space<vmem>>
      %dma_start3A_290 = arith.constant 0 : i32
      %dma_start3A_291 = arith.constant 0 : i32
      %dma_start3A_292 = tpu.memref_slice %arg4[%add3A_283, %dma_start3A_290, %dma_start3A_291] : memref<4096x50x128xf32, #tpu.memory_space<hbm>> -> memref<1x50x128xf32, #tpu.memory_space<hbm>>
      %dma_start3A_293 = tpu.memref_squeeze %dma_start3A_292 : memref<1x50x128xf32, #tpu.memory_space<hbm>> -> memref<50x128xf32, #tpu.memory_space<hbm>>
      %dma_start3A_294 = tpu.memref_slice %arg8[%dma_start3A_285] : memref<4x!tpu.dma_semaphore, #tpu.memory_space<semaphore_mem>> -> memref<1x!tpu.dma_semaphore, #tpu.memory_space<semaphore_mem>>
      %dma_start3A_295 = tpu.memref_squeeze %dma_start3A_294 : memref<1x!tpu.dma_semaphore, #tpu.memory_space<semaphore_mem>> -> memref<!tpu.dma_semaphore, #tpu.memory_space<semaphore_mem>>
      %dma_start3A_296 = arith.constant 0 : i32
      %dma_start3A_297 = arith.constant 0 : i32
      %dma_start3A_298 = tpu.memref_slice %arg4[%add3A_283, %dma_start3A_296, %dma_start3A_297] : memref<4096x50x128xf32, #tpu.memory_space<hbm>> -> memref<1x50x128xf32, #tpu.memory_space<hbm>>
      %dma_start3A_299 = tpu.memref_squeeze %dma_start3A_298 : memref<1x50x128xf32, #tpu.memory_space<hbm>> -> memref<50x128xf32, #tpu.memory_space<hbm>>
      %dma_start3A_300 = arith.constant 0 : i32
      %dma_start3A_301 = arith.constant 0 : i32
      %dma_start3A_302 = tpu.memref_slice %arg6[%dma_start3A_284, %dma_start3A_300, %dma_start3A_301] : memref<4x50x128xf32, #tpu.memory_space<vmem>> -> memref<1x50x128xf32, #tpu.memory_space<vmem>>
      %dma_start3A_303 = tpu.memref_squeeze %dma_start3A_302 : memref<1x50x128xf32, #tpu.memory_space<vmem>> -> memref<50x128xf32, #tpu.memory_space<vmem>>
      tpu.enqueue_dma source(%dma_start3A_303 : memref<50x128xf32, #tpu.memory_space<vmem>>) target(%dma_start3A_299 : memref<50x128xf32, #tpu.memory_space<hbm>>) target_semaphore(%dma_start3A_295 : memref<!tpu.dma_semaphore, #tpu.memory_space<semaphore_mem>>)
      %scan3A_304 = arith.constant 0 : i32
      scf.yield %scan3A_304 : i32
    }
    %scan3A_37 = arith.constant 32 : i32
    %dma_wait3A = arith.constant 0 : i32
    %dma_wait3A_38 = arith.constant 0 : i32
    %dma_wait3A_39 = arith.constant 0 : i32
    %dma_wait3A_40 = arith.constant 0 : i32
    %dma_wait3A_41 = tpu.memref_slice %arg6[%dma_wait3A, %dma_wait3A_39, %dma_wait3A_40] : memref<4x50x128xf32, #tpu.memory_space<vmem>> -> memref<1x50x128xf32, #tpu.memory_space<vmem>>
    %dma_wait3A_42 = tpu.memref_squeeze %dma_wait3A_41 : memref<1x50x128xf32, #tpu.memory_space<vmem>> -> memref<50x128xf32, #tpu.memory_space<vmem>>
    %dma_wait3A_43 = arith.constant 0 : i32
    %dma_wait3A_44 = arith.constant 0 : i32
    %dma_wait3A_45 = tpu.memref_slice %arg4[%mul3A_2, %dma_wait3A_43, %dma_wait3A_44] : memref<4096x50x128xf32, #tpu.memory_space<hbm>> -> memref<1x50x128xf32, #tpu.memory_space<hbm>>
    %dma_wait3A_46 = tpu.memref_squeeze %dma_wait3A_45 : memref<1x50x128xf32, #tpu.memory_space<hbm>> -> memref<50x128xf32, #tpu.memory_space<hbm>>
    %dma_wait3A_47 = tpu.memref_slice %arg8[%dma_wait3A_38] : memref<4x!tpu.dma_semaphore, #tpu.memory_space<semaphore_mem>> -> memref<1x!tpu.dma_semaphore, #tpu.memory_space<semaphore_mem>>
    %dma_wait3A_48 = tpu.memref_squeeze %dma_wait3A_47 : memref<1x!tpu.dma_semaphore, #tpu.memory_space<semaphore_mem>> -> memref<!tpu.dma_semaphore, #tpu.memory_space<semaphore_mem>>
    %dma_wait3A_49 = arith.constant 0 : i32
    %dma_wait3A_50 = arith.constant 0 : i32
    %dma_wait3A_51 = tpu.memref_slice %arg4[%mul3A_2, %dma_wait3A_49, %dma_wait3A_50] : memref<4096x50x128xf32, #tpu.memory_space<hbm>> -> memref<1x50x128xf32, #tpu.memory_space<hbm>>
    %dma_wait3A_52 = tpu.memref_squeeze %dma_wait3A_51 : memref<1x50x128xf32, #tpu.memory_space<hbm>> -> memref<50x128xf32, #tpu.memory_space<hbm>>
    %dma_wait3A_53 = arith.constant 0 : i32
    %dma_wait3A_54 = arith.constant 0 : i32
    %dma_wait3A_55 = tpu.memref_slice %arg6[%dma_wait3A, %dma_wait3A_53, %dma_wait3A_54] : memref<4x50x128xf32, #tpu.memory_space<vmem>> -> memref<1x50x128xf32, #tpu.memory_space<vmem>>
    %dma_wait3A_56 = tpu.memref_squeeze %dma_wait3A_55 : memref<1x50x128xf32, #tpu.memory_space<vmem>> -> memref<50x128xf32, #tpu.memory_space<vmem>>
    tpu.wait_dma2 semaphore(%dma_wait3A_48 : memref<!tpu.dma_semaphore, #tpu.memory_space<semaphore_mem>>) src(%dma_wait3A_56 : memref<50x128xf32, #tpu.memory_space<vmem>>) dst(%dma_wait3A_52 : memref<50x128xf32, #tpu.memory_space<hbm>>)
    %dma_wait3A_57 = arith.constant 1 : i32
    %dma_wait3A_58 = arith.constant 1 : i32
    %dma_wait3A_59 = arith.constant 0 : i32
    %dma_wait3A_60 = arith.constant 0 : i32
    %dma_wait3A_61 = tpu.memref_slice %arg6[%dma_wait3A_57, %dma_wait3A_59, %dma_wait3A_60] : memref<4x50x128xf32, #tpu.memory_space<vmem>> -> memref<1x50x128xf32, #tpu.memory_space<vmem>>
    %dma_wait3A_62 = tpu.memref_squeeze %dma_wait3A_61 : memref<1x50x128xf32, #tpu.memory_space<vmem>> -> memref<50x128xf32, #tpu.memory_space<vmem>>
    %dma_wait3A_63 = arith.constant 0 : i32
    %dma_wait3A_64 = arith.constant 0 : i32
    %dma_wait3A_65 = tpu.memref_slice %arg4[%mul3A_2, %dma_wait3A_63, %dma_wait3A_64] : memref<4096x50x128xf32, #tpu.memory_space<hbm>> -> memref<1x50x128xf32, #tpu.memory_space<hbm>>
    %dma_wait3A_66 = tpu.memref_squeeze %dma_wait3A_65 : memref<1x50x128xf32, #tpu.memory_space<hbm>> -> memref<50x128xf32, #tpu.memory_space<hbm>>
    %dma_wait3A_67 = tpu.memref_slice %arg8[%dma_wait3A_58] : memref<4x!tpu.dma_semaphore, #tpu.memory_space<semaphore_mem>> -> memref<1x!tpu.dma_semaphore, #tpu.memory_space<semaphore_mem>>
    %dma_wait3A_68 = tpu.memref_squeeze %dma_wait3A_67 : memref<1x!tpu.dma_semaphore, #tpu.memory_space<semaphore_mem>> -> memref<!tpu.dma_semaphore, #tpu.memory_space<semaphore_mem>>
    %dma_wait3A_69 = arith.constant 0 : i32
    %dma_wait3A_70 = arith.constant 0 : i32
    %dma_wait3A_71 = tpu.memref_slice %arg4[%mul3A_2, %dma_wait3A_69, %dma_wait3A_70] : memref<4096x50x128xf32, #tpu.memory_space<hbm>> -> memref<1x50x128xf32, #tpu.memory_space<hbm>>
    %dma_wait3A_72 = tpu.memref_squeeze %dma_wait3A_71 : memref<1x50x128xf32, #tpu.memory_space<hbm>> -> memref<50x128xf32, #tpu.memory_space<hbm>>
    %dma_wait3A_73 = arith.constant 0 : i32
    %dma_wait3A_74 = arith.constant 0 : i32
    %dma_wait3A_75 = tpu.memref_slice %arg6[%dma_wait3A_57, %dma_wait3A_73, %dma_wait3A_74] : memref<4x50x128xf32, #tpu.memory_space<vmem>> -> memref<1x50x128xf32, #tpu.memory_space<vmem>>
    %dma_wait3A_76 = tpu.memref_squeeze %dma_wait3A_75 : memref<1x50x128xf32, #tpu.memory_space<vmem>> -> memref<50x128xf32, #tpu.memory_space<vmem>>
    tpu.wait_dma2 semaphore(%dma_wait3A_68 : memref<!tpu.dma_semaphore, #tpu.memory_space<semaphore_mem>>) src(%dma_wait3A_76 : memref<50x128xf32, #tpu.memory_space<vmem>>) dst(%dma_wait3A_72 : memref<50x128xf32, #tpu.memory_space<hbm>>)
    %dma_wait3A_77 = arith.constant 2 : i32
    %dma_wait3A_78 = arith.constant 2 : i32
    %dma_wait3A_79 = arith.constant 0 : i32
    %dma_wait3A_80 = arith.constant 0 : i32
    %dma_wait3A_81 = tpu.memref_slice %arg6[%dma_wait3A_77, %dma_wait3A_79, %dma_wait3A_80] : memref<4x50x128xf32, #tpu.memory_space<vmem>> -> memref<1x50x128xf32, #tpu.memory_space<vmem>>
    %dma_wait3A_82 = tpu.memref_squeeze %dma_wait3A_81 : memref<1x50x128xf32, #tpu.memory_space<vmem>> -> memref<50x128xf32, #tpu.memory_space<vmem>>
    %dma_wait3A_83 = arith.constant 0 : i32
    %dma_wait3A_84 = arith.constant 0 : i32
    %dma_wait3A_85 = tpu.memref_slice %arg4[%mul3A_2, %dma_wait3A_83, %dma_wait3A_84] : memref<4096x50x128xf32, #tpu.memory_space<hbm>> -> memref<1x50x128xf32, #tpu.memory_space<hbm>>
    %dma_wait3A_86 = tpu.memref_squeeze %dma_wait3A_85 : memref<1x50x128xf32, #tpu.memory_space<hbm>> -> memref<50x128xf32, #tpu.memory_space<hbm>>
    %dma_wait3A_87 = tpu.memref_slice %arg8[%dma_wait3A_78] : memref<4x!tpu.dma_semaphore, #tpu.memory_space<semaphore_mem>> -> memref<1x!tpu.dma_semaphore, #tpu.memory_space<semaphore_mem>>
    %dma_wait3A_88 = tpu.memref_squeeze %dma_wait3A_87 : memref<1x!tpu.dma_semaphore, #tpu.memory_space<semaphore_mem>> -> memref<!tpu.dma_semaphore, #tpu.memory_space<semaphore_mem>>
    %dma_wait3A_89 = arith.constant 0 : i32
    %dma_wait3A_90 = arith.constant 0 : i32
    %dma_wait3A_91 = tpu.memref_slice %arg4[%mul3A_2, %dma_wait3A_89, %dma_wait3A_90] : memref<4096x50x128xf32, #tpu.memory_space<hbm>> -> memref<1x50x128xf32, #tpu.memory_space<hbm>>
    %dma_wait3A_92 = tpu.memref_squeeze %dma_wait3A_91 : memref<1x50x128xf32, #tpu.memory_space<hbm>> -> memref<50x128xf32, #tpu.memory_space<hbm>>
    %dma_wait3A_93 = arith.constant 0 : i32
    %dma_wait3A_94 = arith.constant 0 : i32
    %dma_wait3A_95 = tpu.memref_slice %arg6[%dma_wait3A_77, %dma_wait3A_93, %dma_wait3A_94] : memref<4x50x128xf32, #tpu.memory_space<vmem>> -> memref<1x50x128xf32, #tpu.memory_space<vmem>>
    %dma_wait3A_96 = tpu.memref_squeeze %dma_wait3A_95 : memref<1x50x128xf32, #tpu.memory_space<vmem>> -> memref<50x128xf32, #tpu.memory_space<vmem>>
    tpu.wait_dma2 semaphore(%dma_wait3A_88 : memref<!tpu.dma_semaphore, #tpu.memory_space<semaphore_mem>>) src(%dma_wait3A_96 : memref<50x128xf32, #tpu.memory_space<vmem>>) dst(%dma_wait3A_92 : memref<50x128xf32, #tpu.memory_space<hbm>>)
    %dma_wait3A_97 = arith.constant 3 : i32
    %dma_wait3A_98 = arith.constant 3 : i32
    %dma_wait3A_99 = arith.constant 0 : i32
    %dma_wait3A_100 = arith.constant 0 : i32
    %dma_wait3A_101 = tpu.memref_slice %arg6[%dma_wait3A_97, %dma_wait3A_99, %dma_wait3A_100] : memref<4x50x128xf32, #tpu.memory_space<vmem>> -> memref<1x50x128xf32, #tpu.memory_space<vmem>>
    %dma_wait3A_102 = tpu.memref_squeeze %dma_wait3A_101 : memref<1x50x128xf32, #tpu.memory_space<vmem>> -> memref<50x128xf32, #tpu.memory_space<vmem>>
    %dma_wait3A_103 = arith.constant 0 : i32
    %dma_wait3A_104 = arith.constant 0 : i32
    %dma_wait3A_105 = tpu.memref_slice %arg4[%mul3A_2, %dma_wait3A_103, %dma_wait3A_104] : memref<4096x50x128xf32, #tpu.memory_space<hbm>> -> memref<1x50x128xf32, #tpu.memory_space<hbm>>
    %dma_wait3A_106 = tpu.memref_squeeze %dma_wait3A_105 : memref<1x50x128xf32, #tpu.memory_space<hbm>> -> memref<50x128xf32, #tpu.memory_space<hbm>>
    %dma_wait3A_107 = tpu.memref_slice %arg8[%dma_wait3A_98] : memref<4x!tpu.dma_semaphore, #tpu.memory_space<semaphore_mem>> -> memref<1x!tpu.dma_semaphore, #tpu.memory_space<semaphore_mem>>
    %dma_wait3A_108 = tpu.memref_squeeze %dma_wait3A_107 : memref<1x!tpu.dma_semaphore, #tpu.memory_space<semaphore_mem>> -> memref<!tpu.dma_semaphore, #tpu.memory_space<semaphore_mem>>
    %dma_wait3A_109 = arith.constant 0 : i32
    %dma_wait3A_110 = arith.constant 0 : i32
    %dma_wait3A_111 = tpu.memref_slice %arg4[%mul3A_2, %dma_wait3A_109, %dma_wait3A_110] : memref<4096x50x128xf32, #tpu.memory_space<hbm>> -> memref<1x50x128xf32, #tpu.memory_space<hbm>>
    %dma_wait3A_112 = tpu.memref_squeeze %dma_wait3A_111 : memref<1x50x128xf32, #tpu.memory_space<hbm>> -> memref<50x128xf32, #tpu.memory_space<hbm>>
    %dma_wait3A_113 = arith.constant 0 : i32
    %dma_wait3A_114 = arith.constant 0 : i32
    %dma_wait3A_115 = tpu.memref_slice %arg6[%dma_wait3A_97, %dma_wait3A_113, %dma_wait3A_114] : memref<4x50x128xf32, #tpu.memory_space<vmem>> -> memref<1x50x128xf32, #tpu.memory_space<vmem>>
    %dma_wait3A_116 = tpu.memref_squeeze %dma_wait3A_115 : memref<1x50x128xf32, #tpu.memory_space<vmem>> -> memref<50x128xf32, #tpu.memory_space<vmem>>
    tpu.wait_dma2 semaphore(%dma_wait3A_108 : memref<!tpu.dma_semaphore, #tpu.memory_space<semaphore_mem>>) src(%dma_wait3A_116 : memref<50x128xf32, #tpu.memory_space<vmem>>) dst(%dma_wait3A_112 : memref<50x128xf32, #tpu.memory_space<hbm>>)
    return
  }
}

</mosaic_0001>

<sc_bundles>
// kernel: kernel.3.cloned.1.call-start
scs
__scs_entry_jumppad:
0x0: {  	(pc) =	sbr.rel $0x88, $3  }
0x1: {  	(tag) =	ssettag $0x0;
	lr =	simm.s32 $0x1  }
0x2: {  	[smem:$0x3F9F] =	sst lr;
	_ =	strace $0xD0000000  }
0x3: {  	_ = 	snop  }
0x4: {  	_ = 	snop  }
0x5: {  	_ = 	snop  }
0x6: {  	_ = 	snop  }
0x7: {  	_ = 	snop  }
__scs_overlays_trampoline_lowered:
0x8: {  	[smem:$0x3FAE] =	sst s0  }
0x9: {  	[smem:$0x3FAF] =	sst s1  }
0xa: {  	[smem:$0x3FB0] =	sst s2  }
0xb: {  	[smem:$0x3FB1] =	sst s3  }
0xc: {  	[smem:$0x3FB2] =	sst s4  }
0xd: {  	[smem:$0x3FB3] =	sst s5  }
0xe: {  	[smem:$0x3FB4] =	sst s6  }
0xf: {  	[smem:$0x3FB5] =	sst s7  }
0x10: {  	[smem:$0x3FB6] =	sst s8  }
0x11: {  	[smem:$0x3FB7] =	sst s9;
	s0 =	simm.s32 @!p0 $0x0  }
0x12: {  	s1 =	sld [smem:$0x3F9D];
	s0 =	simm.s32 @p0 $0x1  }
0x13: {  	[smem:$0x3FB8] =	sst s0;
	s0 =	simm.s32 @!p1 $0x0  }
0x14: {  	s2 =	sld [smem:$0x3F9C];
	s0 =	simm.s32 @p1 $0x1  }
0x15: {  	[smem:$0x3FB9] =	sst s0;
	s0 =	simm.s32 @!p2 $0x0  }
0x16: {  	s3 =	sld [smem:$0x3FDB];
	s0 =	simm.s32 @p2 $0x1  }
0x17: {  	s4 =	simm.s32 $0x1BF5;
	[smem:$0x3FBB] =	sst s0  }
0x18: {  	s0 =	sld [smem:$0x3F9E];
	_ =	swait.ge [sflag:s4], $0x0  }
0x19: {  	s7 =	sld [smem:$0x3F9F]  }
0x1a: {  	s8 =	sadd.s32 $0xFFFFE003, lr  }
0x1b: {  	s9 =	sadd.s32 $0xFFFFFEF7, lr;
	s5 =	simm.s32 $0xFFFFFFFF;
	p2 =	slt.u32 s8, $0xFFFFF086  }
0x1c: {  	p1 =	slt.u32 s9, $0xF7A;
	s5 =	simm.s32 @!p2 $0x0  }
0x1d: {  	s5 =	simm.s32 @p1 $0x1;
	p0 =	seq.s32 s7, s2  }
0x1e: {  	s7 =	smul.u32 @!p0 $0xF7A, s2;
	p2 =	seq.s32 @!p0 s5, $0x0  }
0x1f: {  	s9 =	smul.u32 $0xF7A, s1;
	s8 =	simm.s32 @!p0 $0x1BF5;
	p2 =	por !p2, p0  }
0x20: {  	[sflag:s8] =	ssyncset.s32 @!p0 $0xFFFFF086;
	s6 =	sadd.s32 @!p0 s3, s7;
	s7 =	simm.s32 @!p0 $0x108  }
0x21: {  	s3 =	sadd.s32 s3, s9;
	s6 =	sadd.s32 @!p0 $0x88, s6;
	s7 =	simm.s32 @p2 $0x1082  }
0x22: {  	[simem:s7], [sflag:s8] =	dma.local @!p0 [hbm:s6], $0xF7A  }
0x23: {  	s9 =	sor.u32 $0xD0000000, s2;
	s6 =	simm.s32 $0x108;
	_ =	swait.ge @!p0 [sflag:s8], $0x0  }
0x24: {  	s3 =	sadd.s32 $0x88, s3;
	s6 =	simm.s32 @!p1 $0x1082;
	[sflag:s4] =	ssyncset.s32 $0xFFFFF086  }
0x25: {  	[simem:s6], [sflag:s4] =	dma.local [hbm:s3], $0xF7A  }
0x26: {  	[smem:$0x3F9F] =	sst s1;
	(tag) =	ssettag s2;
	_ =	strace s9  }
0x27: {  	s1 =	sld [smem:$0x3FAF]  }
0x28: {  	s2 =	sld [smem:$0x3FB0]  }
0x29: {  	s4 =	sld [smem:$0x3FB2]  }
0x2a: {  	p0 =	seq.s32 s5, $0x0;
	s5 =	sld [smem:$0x3FB3]  }
0x2b: {  	s6 =	sld [smem:$0x3FB4]  }
0x2c: {  	s7 =	sld [smem:$0x3FB5]  }
0x2d: {  	s3 =	simm.s32 $0x108;
	s8 =	sld [smem:$0x3FB6]  }
0x2e: {  	s3 =	simm.s32 @!p0 $0x1082;
	s9 =	sld [smem:$0x3FB7]  }
0x2f: {  	lr =	sadd.s32 s0, s3;
	s0 =	sld [smem:$0x3FAE]  }
0x30: {  	s3 =	sld [smem:$0x3FB1]  }
0x31: {  	[smem:$0x3FBA] =	sst s10  }
0x32: {  	s10 =	sld [smem:$0x3FB8];
	_ =	sdelay $0x3  }
0x33: {  	p0 =	seq.s32 s10, $0x1;
	s10 =	sld [smem:$0x3FBA];
	_ =	sdelay $0x3  }
0x34: {  	[smem:$0x3FBA] =	sst s10  }
0x35: {  	s10 =	sld [smem:$0x3FB9];
	_ =	sdelay $0x3  }
0x36: {  	p1 =	seq.s32 s10, $0x1;
	s10 =	sld [smem:$0x3FBA];
	_ =	sdelay $0x3  }
0x37: {  	[smem:$0x3FBA] =	sst s10  }
0x38: {  	s10 =	sld [smem:$0x3FBB]  }
0x39: {  	_ = 	snop;
	(pc) =	sbr.ind lr, $3  }
0x3a: {  	_ = 	snop  }
0x3b: {  	_ = 	snop  }
0x3c: {  	p2 =	seq.s32 s10, $0x1;
	s10 =	sld [smem:$0x3FBA]  }
0x3d: {  	_ =	shalt  }
0x3e: {  	_ =	shalt  }
0x3f: {  	_ =	shalt  }
0x40: {  	_ =	shalt  }
0x41: {  	_ =	shalt  }
0x42: {  	_ =	shalt  }
0x43: {  	_ =	shalt  }
0x44: {  	_ =	shalt  }
0x45: {  	_ =	shalt  }
0x46: {  	_ =	shalt  }
0x47: {  	_ =	shalt  }
0x48: {  	_ =	shalt  }
0x49: {  	_ =	shalt  }
0x4a: {  	_ =	shalt  }
0x4b: {  	_ =	shalt  }
0x4c: {  	_ =	shalt  }
0x4d: {  	_ =	shalt  }
0x4e: {  	_ =	shalt  }
0x4f: {  	_ =	shalt  }
0x50: {  	_ =	shalt  }
0x51: {  	_ =	shalt  }
0x52: {  	_ =	shalt  }
0x53: {  	_ =	shalt  }
0x54: {  	_ =	shalt  }
0x55: {  	_ =	shalt  }
0x56: {  	_ =	shalt  }
0x57: {  	_ =	shalt  }
0x58: {  	_ =	shalt  }
0x59: {  	_ =	shalt  }
0x5a: {  	_ =	shalt  }
0x5b: {  	_ =	shalt  }
0x5c: {  	_ =	shalt  }
0x5d: {  	_ =	shalt  }
0x5e: {  	_ =	shalt  }
0x5f: {  	_ =	shalt  }
0x60: {  	_ =	shalt  }
0x61: {  	_ =	shalt  }
0x62: {  	_ =	shalt  }
0x63: {  	_ =	shalt  }
0x64: {  	_ =	shalt  }
0x65: {  	_ =	shalt  }
0x66: {  	_ =	shalt  }
0x67: {  	_ =	shalt  }
0x68: {  	_ =	shalt  }
0x69: {  	_ =	shalt  }
0x6a: {  	_ =	shalt  }
0x6b: {  	_ =	shalt  }
0x6c: {  	_ =	shalt  }
0x6d: {  	_ =	shalt  }
0x6e: {  	_ =	shalt  }
0x6f: {  	_ =	shalt  }
0x70: {  	_ =	shalt  }
0x71: {  	_ =	shalt  }
0x72: {  	_ =	shalt  }
0x73: {  	_ =	shalt  }
0x74: {  	_ =	shalt  }
0x75: {  	_ =	shalt  }
0x76: {  	_ =	shalt  }
0x77: {  	_ =	shalt  }
0x78: {  	_ =	shalt  }
0x79: {  	_ =	shalt  }
0x7a: {  	_ =	shalt  }
0x7b: {  	_ =	shalt  }
0x7c: {  	_ =	shalt  }
0x7d: {  	_ =	shalt  }
0x7e: {  	_ =	shalt  }
0x7f: {  	_ =	shalt  }
0x80: {  	_ =	shalt  }
0x81: {  	_ =	shalt  }
0x82: {  	_ =	shalt  }
0x83: {  	_ =	shalt  }
0x84: {  	_ =	shalt  }
0x85: {  	_ =	shalt  }
0x86: {  	_ =	shalt  }
0x87: {  	_ =	shalt  }
.Lfunc_end0:
.L_simem_size_0:
called_computation_lowered:
.L_overlay_start_0:
0x88: {  	s2 =	sld [smem:$0x3FD9]  }
0x89: {  	s3 =	sld [smem:$0x3FFE];
	_ =	sdelay $0x1  }
0x8a: {  	s1 =	srdreg.scid  }
0x8b: {  	s0 =	sand.u32 $0x1, s1  }
0x8c: {  	s17 =	sshll.u32 s0, $0xA;
	s2 =	sadd.s32 s3, s2  }
0x8d: {  	s2 =	sadd.s32 s2, s17  }
0x8e: {  	[smem:$0x3FC6] =	sst s2  }
0x8f: {  	_ = 	snop  }
0x90: {  	s2 =	sld [smem:$0x3FC8]  }
0x91: {  	s18 =	sld [smem:$0x3FD0];
	(tm) =	ssettm $0x1  }
0x92: {  	s4 =	sld [smem:$0x3FFB];
	_ =	sdelay $0x3  }
0x93: {  	_ =	strace s4  }
0x94: {  	s4 =	sld [smem:$0x3FFC];
	_ =	sdelay $0x3  }
0x95: {  	_ =	strace s4  }
0x96: {  	s4 =	sld [smem:$0x3FFD];
	_ =	sdelay $0x3  }
0x97: {  	_ =	strace s4  }
0x98: {  	_ =	strace $0x8FFFFFFF  }
0x99: {  	s19 =	sld [smem:$0x3FDB];
	_ =	sdelay $0x1  }
0x9a: {  	s5 =	simm.s32 $_scs_section_size  }
0x9b: {  	s6 =	simm.s32 $_size__tile_overlayer_lowered;
	s7 =	simm.s32 $_tile_overlayer_lowered  }
0x9c: {  	s22 =	simm.s32 $0x1BFF;
	s21 =	sshll.u32 s7, $0x1;
	s4 =	sadd.s32 s5, s19  }
0x9d: {  	s8 =	simm.s32 $0x0;
	s20 =	sshll.u32 s6, $0x1;
	s6 =	sadd.s32 s21, s4  }
0x9e: {  	[timem:s8], [sflag:s22] =	dma.local [hbm:s6], s20  }
0x9f: {  	_ =	swait.ge [sflag:s22], s20  }
0xa0: {  	s5 =	ssub.s32 $0x0, s20;
	[sflag:s22] =	ssyncset.done $0x0  }
0xa1: {  	[sflag:s22] =	ssyncadd.s32 s5;
	_ =	sdelay $0x1  }
0xa2: {  	s23 =	simm.s32 $0x1B8B  }
0xa3: {  	_ =	swait.ge [sflag:s23], $0x1  }
0xa4: {  	[sflag:s23] =	ssyncset.done $0x0  }
0xa5: {  	s25 =	simm.s32 $0x1B8E;
	s24 =	sld [smem:$0x3FFE];
	[sflag:s23] =	ssyncadd.s32 $0xFFFFFFFF  }
0xa6: {  	s26 =	simm.s32 $execute0_lowered;
	[smem:$0x3FD2] =	sst s25  }
0xa7: {  	s6 =	sshll.u32 s26, $0x1;
	_ =	strace $0x80000046;
	[dreg:$0x1] =	wrdreg $0xFFFFFFFF  }
0xa8: {  	s28 =	simm.s32 $_size_execute0_lowered;
	s4 =	sadd.s32 s4, s6;
	[dreg:$0x0] =	wrdreg $0x0  }
0xa9: {  	s6 =	sshll.u32 s28, $0x1;
	[dreg:$0x2] =	wrdreg s4  }
0xaa: {  	[dreg:$0x3] =	wrdreg s6  }
0xab: {  	[dreg:$0x4] =	wrdreg $0xC0  }
0xac: {  	_ =	task [dreg:s8], $0x5FFFF  }
0xad: {  	[dreg:$0x1] =	wrdreg $0xFFFFFFFF  }
0xae: {  	[dreg:$0x0] =	wrdreg $0x60  }
0xaf: {  	[dreg:$0x2] =	wrdreg s18  }
0xb0: {  	[dreg:$0x3] =	wrdreg s2  }
0xb1: {  	[dreg:$0x4] =	wrdreg s24  }
0xb2: {  	[dreg:$0x5] =	wrdreg $0x9  }
0xb3: {  	_ =	task.clear_ibuf [dreg:s8], $0x6FFFF;
	_ =	strace $0x90000046  }
0xb4: {  	s29 =	simm.s32 $0x9;
	_ =	strace $0x80000048  }
0xb5: {  	_ =	swait.ge [sflag:s29], $0x1  }
0xb6: {  	[sflag:s29] =	ssyncadd.s32 $0xFFFFFFFF  }
0xb7: {  	_ =	strace $0x90000048  }
0xb8: {  	_ =	sfence  }
0xb9: {  	s30 =	sld [smem:$0x0];
	_ =	sdelay $0x2  }
0xba: {  	s31 =	sshll.u32 s1, $0xD;
	s1 =	sshrl.u32 s1, $0x2  }
0xbb: {  	s3 =	sand.u32 $0x4000, s31;
	s1 =	sadd.s32 s1, s30  }
0xbc: {  	s0 =	sor.u32 s3, s0;
	s1 =	sshll.u32 s1, $0x11  }
0xbd: {  	s0 =	sor.u32 s1, s0  }
0xbe: {  	s0 =	sadd.s32 $0x8F2B, s0  }
0xbf: {  	[sflag:s0] =	ssyncadd.remote.s32 $0x1  }
0xc0: {  	_ =	sfence.sel $0xFFFF  }
0xc1: {  	[dreg:$0x0] =	wrdreg $0xFFFFFFFF;
	(pc) =	sbr.abs _section_cstart, $3  }
0xc2: {  	[dreg:$0x1] =	wrdreg $0xFFFFFFFF  }
0xc3: {  	_ =	task.clear_ibuf [dreg:s8], $0x2FFFF;
	_ =	strace $0x9FFFFFFF  }
0xc4: {  	(tm) =	ssettm $0x7FFFFFFF  }
0xc5: {  	_ =	shalt  }
tec
execute0_lowered:
.L_overlay_start_1:
0x0: {  	(tag) =	ssettag $0x1  }
0x1: {  	s4 =	rddreg [dreg:$0x0]  }
0x2: {  	s1 =	rddreg [dreg:$0x1]  }
0x3: {  	s5 =	rddreg [dreg:$0x2]  }
0x4: {  	s3 =	simm.s32 $0x0;
	s6 =	srdreg.scid;
	s0 =	stileid.u32  }
0x5: {  	s12 =	simm.s32 $0x7800;
	s11 =	simm.s32 $0x5C00;
	s13 =	simm.s32 $0x9400  }
0x6: {  	s14 =	simm.s32 $0x2;
	s15 =	simm.s32 $0x4;
	s16 =	simm.s32 $0x5  }
0x7: {  	s17 =	simm.s32 $0x6;
	s18 =	simm.s32 $0x7;
	s19 =	simm.s32 $0x8  }
0x8: {  	s20 =	simm.s32 $0x0;
	[smem:$0x7FF] =	sst s3;
	s6 =	sand.u32 $0x1, s6  }
0x9: {  	s7 =	sshll.u32 s0, $0x1;
	s9 =	sadd.s32 $0x400, s5;
	s30 =	smul.u32 $0x38000, s0  }
0xa: {  	_ =	strace $0x80000047;
	s8 =	ssub.s32 $0x2, s6;
	s7 =	sor.u32 s6, s7  }
0xb: {  	s6 =	smul.u32 $0x1C000, s6;
	[dreg:$0x4] =	wrdreg s12;
	s12 =	simm.s32 $0x1  }
0xc: {  	s29 =	sshrl.u32 s8, $0x1;
	s10 =	smul.u32 $0x1C000, s7;
	s7 =	sshll.u32 s7, $0xB  }
0xd: {  	s5 =	ssub.s32 s8, s29;
	s4 =	sadd.s32 s4, s7;
	s8 =	sadd.s32 s30, s9  }
0xe: {  	s31 =	sadd.s32 s9, s10;
	s5 =	smax.u32 s5, $0x1;
	s6 =	sadd.s32 s6, s8  }
0xf: {  	s8 =	simm.s32 $0x32;
	s9 =	simm.s32 $0x4000;
	s7 =	sadd.s32 $0x1B900, s31  }
0x10: {  	s10 =	simm.s32 $0x80;
	[dreg:$0x5] =	wrdreg s7;
	s7 =	simm.s32 $0x9  }
.LBB2_1:
0x11: {  	[tilespmem:s3], [sflag:$0x9] =	stream.linear.gather [hbm4b:s4+s3], $0x4000, $0x38;
	[tilespmem:$0xB000] =	vst v63  }
0x12: {  	_ =	swait.ge [sflag:s7], $0x4000  }
0x13: {  	[sflag:s7] =	ssyncset.done $0x0  }
0x14: {  	p0 =	por $0x1, $0x1;
	[sflag:s7] =	ssyncadd.s32 $0xFFFFC000  }
0x15: {  	[tilespmem:s9], [sflag:$0x1] =	stream.indirect.gather [hbm4b:s1+s8], $0x80, s3, s8, $0xb8;
	[tilespmem:$0xB000] =	vst v63  }
0x16: {  	s21 =	simm.s32 @!p0 $0x7  }
0x17: {  	[tilespmem:s11], [sflag:$0x2] =	stream.indirect.gather [hbm4b:s1+s8], $0x80, s10, s8, $0xb8;
	[tilespmem:$0xB000] =	vst v63  }
0x18: {  	_ =	swait.ge @!p0 [sflag:s21], $0x1900  }
0x19: {  	[sflag:s21] =	ssyncset.done @!p0 $0x0  }
0x1a: {  	s29 =	simm.s32 $0x100;
	s22 =	rddreg [dreg:$0x4];
	[sflag:s21] =	ssyncadd.s32 @!p0 $0xFFFFE700  }
0x1b: {  	[tilespmem:s22], [sflag:$0x3] =	stream.indirect.gather [hbm4b:s1+s8], $0x80, s29, s8, $0xb8;
	[tilespmem:$0xB000] =	vst v63  }
0x1c: {  	_ =	swait.ge [sflag:s12], $0x1900  }
0x1d: {  	[sflag:s12] =	ssyncset.done $0x0  }
0x1e: {  	s21 =	simm.s32 @!p0 $0x8;
	[sflag:s12] =	ssyncadd.s32 $0xFFFFE700  }
0x1f: {  	[hbm4b:s6+s3] =	stream.linear.scatter [tilespmem:s9], [sflag:$0x5], $0x1900, $0x38;
	[tilespmem:$0xB000] =	vst v63  }
0x20: {  	_ =	swait.ge @!p0 [sflag:s21], $0x1900  }
0x21: {  	[sflag:s21] =	ssyncset.done @!p0 $0x0  }
0x22: {  	s30 =	simm.s32 $0x180;
	[sflag:s21] =	ssyncadd.s32 @!p0 $0xFFFFE700  }
0x23: {  	[tilespmem:s13], [sflag:$0x4] =	stream.indirect.gather [hbm4b:s1+s8], $0x80, s30, s8, $0xb8;
	[tilespmem:$0xB000] =	vst v63  }
0x24: {  	_ =	swait.ge [sflag:s14], $0x1900  }
0x25: {  	p0 =	por $0x0, $0x0;
	[sflag:s14] =	ssyncset.done $0x0  }
0x26: {  	s31 =	sadd.s32 $0x380, s6;
	s22 =	simm.s32 @p0 $0x3;
	[sflag:s14] =	ssyncadd.s32 $0xFFFFE700  }
0x27: {  	[hbm4b:s31+s3] =	stream.linear.scatter [tilespmem:s11], [sflag:$0x6], $0x1900, $0x38;
	[tilespmem:$0xB000] =	vst v63  }
0x28: {  	_ =	swait.ge @p0 [sflag:s22], $0x1900  }
0x29: {  	s23 =	simm.s32 @p0 $0x7800;
	s24 =	simm.s32 @!p0 $0x5;
	[sflag:s22] =	ssyncset.done @p0 $0x0  }
0x2a: {  	s21 =	rddreg [dreg:$0x5];
	[sflag:s22] =	ssyncadd.s32 @p0 $0xFFFFE700;
	s22 =	simm.s32 @p0 $0x0  }
0x2b: {  	[hbm4b:s21+s22] =	stream.linear.scatter @p0 [tilespmem:s23], [sflag:$0x7], $0x1900, $0x38;
	[tilespmem:$0xB000] =	vst v63  }
0x2c: {  	_ =	swait.ge @!p0 [sflag:s24], $0x1900  }
0x2d: {  	s25 =	simm.s32 @!p0 $0x32;
	s21 =	simm.s32 @!p0 $0x200;
	[sflag:s24] =	ssyncset.done @!p0 $0x0  }
0x2e: {  	s22 =	simm.s32 @!p0 $0x4000;
	s23 =	simm.s32 @!p0 $0x3;
	[sflag:s24] =	ssyncadd.s32 @!p0 $0xFFFFE700  }
0x2f: {  	[tilespmem:s22], [sflag:$0x1] =	stream.indirect.gather @!p0 [hbm4b:s1+s25], $0x80, s21, s25, $0xb8;
	[tilespmem:$0xB000] =	vst v63  }
0x30: {  	_ =	swait.ge @!p0 [sflag:s23], $0x1900  }
0x31: {  	s26 =	simm.s32 @!p0 $0x6;
	s24 =	simm.s32 @!p0 $0x0;
	[sflag:s23] =	ssyncset.done @!p0 $0x0  }
0x32: {  	s21 =	simm.s32 @!p0 $0x7800;
	s22 =	sadd.s32 @!p0 $0x700, s6;
	[sflag:s23] =	ssyncadd.s32 @!p0 $0xFFFFE700  }
0x33: {  	[hbm4b:s22+s24] =	stream.linear.scatter @!p0 [tilespmem:s21], [sflag:$0x7], $0x1900, $0x38;
	[tilespmem:$0xB000] =	vst v63  }
0x34: {  	_ =	swait.ge @!p0 [sflag:s26], $0x1900  }
0x35: {  	p1 =	por $0x0, $0x0;
	s22 =	sadd.s32 $0xE00, s6;
	[sflag:s26] =	ssyncset.done @!p0 $0x0  }
0x36: {  	s21 =	simm.s32 @!p0 $0x280;
	s24 =	simm.s32 @!p0 $0x5C00;
	[sflag:s26] =	ssyncadd.s32 @!p0 $0xFFFFE700  }
0x37: {  	[tilespmem:s24], [sflag:$0x2] =	stream.indirect.gather @!p0 [hbm4b:s1+s25], $0x80, s21, s25, $0xb8;
	[tilespmem:$0xB000] =	vst v63  }
0x38: {  	s23 =	simm.s32 $0x800;
	s26 =	sadd.s32 $0xE00, s22;
	s24 =	sadd.s32 $0xA80, s6  }
0x39: {  	s25 =	simm.s32 $0x1000;
	s21 =	sadd.s32 $0xA80, s22;
	_ =	swait.ge [sflag:s15], $0x1900  }
.LBB2_2:
0x3a: {  	[sflag:s15] =	ssyncset.done $0x0  }
0x3b: {  	s28 =	simm.s32 @!p1 $0x7;
	[sflag:s15] =	ssyncadd.s32 $0xFFFFE700  }
0x3c: {  	[hbm4b:s24+s3] =	stream.linear.scatter [tilespmem:s13], [sflag:$0x8], $0x1900, $0x38;
	[tilespmem:$0xB000] =	vst v63  }
0x3d: {  	_ =	swait.ge @!p1 [sflag:s28], $0x1900  }
0x3e: {  	s0 =	sshra.s32 s23, $0x2;
	[sflag:s28] =	ssyncset.done @!p1 $0x0  }
0x3f: {  	s2 =	sadd.s32 $0x100, s0;
	s31 =	rddreg [dreg:$0x4];
	[sflag:s28] =	ssyncadd.s32 @!p1 $0xFFFFE700  }
0x40: {  	[tilespmem:s31], [sflag:$0x3] =	stream.indirect.gather [hbm4b:s1+s8], $0x80, s2, s8, $0xb8;
	[tilespmem:$0xB000] =	vst v63  }
0x41: {  	_ =	swait.ge [sflag:s12], $0x1900  }
0x42: {  	[sflag:s12] =	ssyncset.done $0x0  }
0x43: {  	s28 =	simm.s32 @!p1 $0x8;
	[sflag:s12] =	ssyncadd.s32 $0xFFFFE700  }
0x44: {  	[hbm4b:s22+s3] =	stream.linear.scatter [tilespmem:s9], [sflag:$0x5], $0x1900, $0x38;
	[tilespmem:$0xB000] =	vst v63  }
0x45: {  	_ =	swait.ge @!p1 [sflag:s28], $0x1900  }
0x46: {  	s30 =	sadd.s32 $0xA80, s26;
	s24 =	smov.u32 s21;
	[sflag:s28] =	ssyncset.done @!p1 $0x0  }
0x47: {  	s21 =	smov.u32 s30;
	s30 =	sadd.s32 $0x180, s0;
	[sflag:s28] =	ssyncadd.s32 @!p1 $0xFFFFE700  }
0x48: {  	[tilespmem:s13], [sflag:$0x4] =	stream.indirect.gather [hbm4b:s1+s8], $0x80, s30, s8, $0xb8;
	[tilespmem:$0xB000] =	vst v63  }
0x49: {  	s29 =	smov.u32 s25;
	p1 =	seq.s32 s23, $0xF800;
	_ =	swait.ge [sflag:s14], $0x1900  }
0x4a: {  	s31 =	sadd.s32 $0x380, s22;
	s30 =	simm.s32 @p1 $0x3;
	[sflag:s14] =	ssyncset.done $0x0  }
0x4b: {  	s23 =	sshra.s32 @!p1 s23, $0x2;
	s2 =	simm.s32 @!p1 $0x5;
	[sflag:s14] =	ssyncadd.s32 $0xFFFFE700  }
0x4c: {  	[hbm4b:s31+s3] =	stream.linear.scatter [tilespmem:s11], [sflag:$0x6], $0x1900, $0x38;
	[tilespmem:$0xB000] =	vst v63  }
0x4d: {  	s28 =	sadd.s32 @!p1 $0x200, s23;
	s31 =	sadd.s32 @!p1 $0x280, s23;
	_ =	swait.ge @p1 [sflag:s30], $0x1900  }
0x4e: {  	s23 =	smov.u32 s29;
	s29 =	simm.s32 @p1 $0x0;
	[sflag:s30] =	ssyncset.done @p1 $0x0  }
0x4f: {  	s0 =	rddreg [dreg:$0x5];
	[sflag:s30] =	ssyncadd.s32 @p1 $0xFFFFE700;
	s30 =	simm.s32 @p1 $0x7800  }
0x50: {  	[hbm4b:s0+s29] =	stream.linear.scatter @p1 [tilespmem:s30], [sflag:$0x7], $0x1900, $0x38;
	[tilespmem:$0xB000] =	vst v63  }
0x51: {  	_ =	swait.ge @!p1 [sflag:s2], $0x1900  }
0x52: {  	s25 =	sadd.s32 $0x800, s25;
	s0 =	simm.s32 @!p1 $0x32;
	[sflag:s2] =	ssyncset.done @!p1 $0x0  }
0x53: {  	s29 =	simm.s32 @!p1 $0x4000;
	[sflag:s2] =	ssyncadd.s32 @!p1 $0xFFFFE700;
	s2 =	simm.s32 @!p1 $0x3  }
0x54: {  	[tilespmem:s29], [sflag:$0x1] =	stream.indirect.gather @!p1 [hbm4b:s1+s0], $0x80, s28, s0, $0xb8;
	[tilespmem:$0xB000] =	vst v63  }
0x55: {  	p0 =	sne.s32 s25, $0x10000;
	_ =	swait.ge @!p1 [sflag:s2], $0x1900  }
0x56: {  	s30 =	simm.s32 @!p1 $0x0;
	s28 =	simm.s32 @!p1 $0x7800;
	[sflag:s2] =	ssyncset.done @!p1 $0x0  }
0x57: {  	s29 =	sadd.s32 @!p1 $0x700, s22;
	[sflag:s2] =	ssyncadd.s32 @!p1 $0xFFFFE700;
	s2 =	simm.s32 @!p1 $0x6  }
0x58: {  	[hbm4b:s29+s30] =	stream.linear.scatter @!p1 [tilespmem:s28], [sflag:$0x7], $0x1900, $0x38;
	[tilespmem:$0xB000] =	vst v63  }
.Ltmp0:
0x59: {  	_ =	swait.ge @!p1 [sflag:s2], $0x1900;
	(pc) =	sbr.rel @p0 .LBB2_2-.Ltmp0, $4  }
0x5a: {  	[sflag:s2] =	ssyncset.done @!p1 $0x0  }
0x5b: {  	s22 =	smov.u32 s26;
	s28 =	simm.s32 @!p1 $0x5C00;
	[sflag:s2] =	ssyncadd.s32 @!p1 $0xFFFFE700  }
0x5c: {  	[tilespmem:s28], [sflag:$0x2] =	stream.indirect.gather @!p1 [hbm4b:s1+s0], $0x80, s31, s0, $0xb8;
	[tilespmem:$0xB000] =	vst v63  }
0x5d: {  	s26 =	sadd.s32 $0xE00, s26;
	p1 =	seq.s32 s23, $0x0;
	_ =	swait.ge [sflag:s15], $0x1900  }
0x5e: {  	[sflag:s15] =	ssyncset.done $0x0  }
0x5f: {  	s0 =	simm.s32 @!p1 $0x7;
	[sflag:s15] =	ssyncadd.s32 $0xFFFFE700  }
0x60: {  	[hbm4b:s24+s3] =	stream.linear.scatter [tilespmem:s13], [sflag:$0x8], $0x1900, $0x38;
	[tilespmem:$0xB000] =	vst v63  }
0x61: {  	_ =	swait.ge @!p1 [sflag:s0], $0x1900  }
0x62: {  	s28 =	sshra.s32 s23, $0x2;
	[sflag:s0] =	ssyncset.done @!p1 $0x0  }
0x63: {  	s29 =	sadd.s32 $0x100, s28;
	s2 =	rddreg [dreg:$0x4];
	[sflag:s0] =	ssyncadd.s32 @!p1 $0xFFFFE700  }
0x64: {  	[tilespmem:s2], [sflag:$0x3] =	stream.indirect.gather [hbm4b:s1+s8], $0x80, s29, s8, $0xb8;
	[tilespmem:$0xB000] =	vst v63  }
0x65: {  	_ =	swait.ge [sflag:s12], $0x1900  }
0x66: {  	[sflag:s12] =	ssyncset.done $0x0  }
0x67: {  	s0 =	simm.s32 @!p1 $0x8;
	[sflag:s12] =	ssyncadd.s32 $0xFFFFE700  }
0x68: {  	[hbm4b:s22+s3] =	stream.linear.scatter [tilespmem:s9], [sflag:$0x5], $0x1900, $0x38;
	[tilespmem:$0xB000] =	vst v63  }
0x69: {  	_ =	swait.ge @!p1 [sflag:s0], $0x1900  }
0x6a: {  	[sflag:s0] =	ssyncset.done @!p1 $0x0  }
0x6b: {  	s30 =	sadd.s32 $0x180, s28;
	[sflag:s0] =	ssyncadd.s32 @!p1 $0xFFFFE700  }
0x6c: {  	[tilespmem:s13], [sflag:$0x4] =	stream.indirect.gather [hbm4b:s1+s8], $0x80, s30, s8, $0xb8;
	[tilespmem:$0xB000] =	vst v63  }
0x6d: {  	_ =	swait.ge [sflag:s14], $0x1900  }
0x6e: {  	p0 =	seq.s32 s23, $0xF800;
	[sflag:s14] =	ssyncset.done $0x0  }
0x6f: {  	s31 =	sadd.s32 $0x380, s22;
	s2 =	simm.s32 @p0 $0x3;
	[sflag:s14] =	ssyncadd.s32 $0xFFFFE700  }
0x70: {  	[hbm4b:s31+s3] =	stream.linear.scatter [tilespmem:s11], [sflag:$0x6], $0x1900, $0x38;
	[tilespmem:$0xB000] =	vst v63  }
0x71: {  	_ =	swait.ge @p0 [sflag:s2], $0x1900  }
0x72: {  	s25 =	simm.s32 @!p0 $0x5;
	s24 =	simm.s32 @p0 $0x7800;
	[sflag:s2] =	ssyncset.done @p0 $0x0  }
0x73: {  	s0 =	rddreg [dreg:$0x5];
	[sflag:s2] =	ssyncadd.s32 @p0 $0xFFFFE700;
	s2 =	simm.s32 @p0 $0x0  }
0x74: {  	[hbm4b:s0+s2] =	stream.linear.scatter @p0 [tilespmem:s24], [sflag:$0x7], $0x1900, $0x38;
	[tilespmem:$0xB000] =	vst v63  }
0x75: {  	s0 =	sshra.s32 @!p0 s23, $0x2;
	_ =	swait.ge @!p0 [sflag:s25], $0x1900  }
0x76: {  	s23 =	simm.s32 @!p0 $0x32;
	s24 =	simm.s32 @!p0 $0x4000;
	[sflag:s25] =	ssyncset.done @!p0 $0x0  }
0x77: {  	s2 =	sadd.s32 @!p0 $0x200, s0;
	[sflag:s25] =	ssyncadd.s32 @!p0 $0xFFFFE700;
	s25 =	simm.s32 @!p0 $0x3  }
0x78: {  	[tilespmem:s24], [sflag:$0x1] =	stream.indirect.gather @!p0 [hbm4b:s1+s23], $0x80, s2, s23, $0xb8;
	[tilespmem:$0xB000] =	vst v63  }
0x79: {  	_ =	swait.ge @!p0 [sflag:s25], $0x1900  }
0x7a: {  	s22 =	sadd.s32 @!p0 $0x700, s22;
	s2 =	simm.s32 @!p0 $0x7800;
	[sflag:s25] =	ssyncset.done @!p0 $0x0  }
0x7b: {  	s24 =	simm.s32 @!p0 $0x0;
	[sflag:s25] =	ssyncadd.s32 @!p0 $0xFFFFE700;
	s25 =	simm.s32 @!p0 $0x6  }
0x7c: {  	[hbm4b:s22+s24] =	stream.linear.scatter @!p0 [tilespmem:s2], [sflag:$0x7], $0x1900, $0x38;
	[tilespmem:$0xB000] =	vst v63  }
0x7d: {  	_ =	swait.ge @!p0 [sflag:s25], $0x1900  }
0x7e: {  	[sflag:s25] =	ssyncset.done @!p0 $0x0  }
0x7f: {  	s0 =	sadd.s32 @!p0 $0x280, s0;
	s2 =	simm.s32 @!p0 $0x5C00;
	[sflag:s25] =	ssyncadd.s32 @!p0 $0xFFFFE700  }
0x80: {  	[tilespmem:s2], [sflag:$0x2] =	stream.indirect.gather @!p0 [hbm4b:s1+s23], $0x80, s0, s23, $0xb8;
	[tilespmem:$0xB000] =	vst v63  }
0x81: {  	_ =	swait.ge [sflag:s15], $0x1900  }
0x82: {  	[sflag:s15] =	ssyncset.done $0x0  }
0x83: {  	[sflag:s15] =	ssyncadd.s32 $0xFFFFE700  }
0x84: {  	[hbm4b:s21+s3] =	stream.linear.scatter [tilespmem:s13], [sflag:$0x8], $0x1900, $0x38;
	[tilespmem:$0xB000] =	vst v63  }
0x85: {  	_ =	swait.ge [sflag:s16], $0x1900  }
0x86: {  	[sflag:s16] =	ssyncset.done $0x0  }
0x87: {  	[sflag:s16] =	ssyncadd.s32 $0xFFFFE700  }
0x88: {  	_ =	swait.ge [sflag:s17], $0x1900  }
0x89: {  	[sflag:s17] =	ssyncset.done $0x0  }
0x8a: {  	s20 =	sadd.s32 $0x1, s20;
	[sflag:s17] =	ssyncadd.s32 $0xFFFFE700  }
0x8b: {  	p0 =	sne.s32 s20, s5;
	_ =	swait.ge [sflag:s18], $0x1900  }
.Ltmp1:
0x8c: {  	[sflag:s18] =	ssyncset.done $0x0;
	(pc) =	sbr.rel @p0 .LBB2_1-.Ltmp1, $4  }
0x8d: {  	[sflag:s18] =	ssyncadd.s32 $0xFFFFE700  }
0x8e: {  	_ =	swait.ge [sflag:s19], $0x1900  }
0x8f: {  	[sflag:s19] =	ssyncset.done $0x0  }
0x90: {  	[sflag:s19] =	ssyncadd.s32 $0xFFFFE700  }
0x91: {  	_ =	sfence.sel $0x180000  }
0x92: {  	[bflag:$0x0] =	sbarrier.arrive $0xFFFF  }
0x93: {  	_ =	strace $0x90000047  }
0x94: {  	s0 =	stileid.u32;
	[bflag:$0x2] =	sbarrier.arrive $0xFFFF  }
0x95: {  	p0 =	sne.s32 s0, $0x0;
	s0 =	rddreg [dreg:$0x3]  }
0x96: {  	s0 =	sadd.s32 @!p0 $0x100000, s0  }
0x97: {  	[sflag:s0] =	ssyncadd.tile.s32 @!p0 $0x1;
	_ =	shalt  }
.Lfunc_end2:
_tile_overlayer_lowered:
.L_overlay_start_2:
0x98: {  	(tag) =	ssettag $0x2  }
0x99: {  	s0 =	rddreg [dreg:$0x0];
	s2 =	stileid.u32  }
0x9a: {  	s1 =	rddreg [dreg:$0x1];
	p0 =	sne.s32 s2, $0x0  }
0x9b: {  	s3 =	rddreg [dreg:$0x2];
	[bflag:$0x3] =	sbarrier.arrive $0xFFFF;
	s2 =	simm.s32 @!p0 $0x1C09  }
0x9c: {  	[timem:s3], [sflag:s2] =	dma.local @!p0 [hbm:s0], s1  }
0x9d: {  	s0 =	simm.s32 @!p0 $0x9  }
0x9e: {  	_ =	swait.ge @!p0 [sflag:s0], s1  }
0x9f: {  	s1 =	ssub.s32 @!p0 $0x0, s1;
	[sflag:s0] =	ssyncset.done @!p0 $0x0  }
0xa0: {  	[sflag:s0] =	ssyncadd.s32 @!p0 s1  }
0xa1: {  	[bflag:$0x3] =	sbarrier.arrive $0xFFFF  }
0xa2: {  	_ =	shalt  }

</sc_bundles>
